<compile_context>
chip_gen: v7x
topology: tpu7x:2x2x1
jax: 0.10.2.dev20260603
libtpu: 0.0.44.dev20260713+nightly
codegen_flags: <defaults>
</compile_context>

<pallas_src>
import functools

import jax
import jax.numpy as jnp
from jax import lax
from jax.experimental import pallas as pl
from jax.experimental.pallas import tpu as pltpu
from jax.experimental.pallas import tpu_sc as plsc

N = 10000
D = 128
E = 320000

NC = 2
NS = 16
NTILES = NC * NS
CHUNK = 128
NCH = 80
EPT = NCH * CHUNK
EPAD = NTILES * EPT
NPAD = 10240
RPT = NPAD // NS


def _sc_segsum_body(h_hbm, pidx_hbm, out_hbm,
                    pidx_v, ring, rows0, rows1, acc, sem0, sem1, semz):
    c = lax.axis_index("c")
    s = lax.axis_index("s")
    tile = c * NS + s

    cpi = pltpu.async_copy(pidx_hbm.at[tile], pidx_v, sem0)

    @pl.loop(0, CHUNK)
    def _(i):
        for k in range(D // 16):
            rows1[i, pl.ds(k * 16, 16)] = jnp.zeros((16,), jnp.float32)

    def unpack(j, slot):
        for k in range(CHUNK // 16):
            p = pidx_v[j, pl.ds(k * 16, 16)]
            ring[2 * slot, pl.ds(k * 16, 16)] = lax.shift_right_logical(p, 14)
            ring[2 * slot + 1, pl.ds(k * 16, 16)] = lax.bitwise_and(p, 16383)

    row0 = s * RPT
    zeros = [
        pltpu.async_copy(rows1, acc.at[pl.ds(row0 + k * CHUNK, CHUNK)], semz)
        for k in range(RPT // CHUNK)
    ]

    cpi.wait()
    unpack(0, 0)
    pltpu.async_copy(h_hbm.at[ring.at[0]], rows0, sem0)

    for cp in zeros:
        cp.wait()
    plsc.subcore_barrier()

    @pl.loop(0, NCH, step=2)
    def _(j):
        unpack(j + 1, 1)
        cp1 = pltpu.async_copy(h_hbm.at[ring.at[2]], rows1, sem1)
        pltpu.make_async_copy(h_hbm.at[ring.at[0]], rows0, sem0).wait()
        pltpu.sync_copy(rows0, acc.at[ring.at[1]], add=False)

        @pl.when(j + 2 < NCH)
        def _():
            unpack(j + 2, 0)
            pltpu.async_copy(h_hbm.at[ring.at[0]], rows0, sem0)

        cp1.wait()
        pltpu.sync_copy(rows1, acc.at[ring.at[3]], add=False)

    plsc.subcore_barrier()

    pltpu.sync_copy(acc.at[pl.ds(row0, RPT)], out_hbm.at[c, pl.ds(row0, RPT)])


_sc_segsum = pl.kernel(
    _sc_segsum_body,
    out_type=jax.ShapeDtypeStruct((NC, NPAD, D), jnp.float32),
    mesh=plsc.VectorSubcoreMesh(core_axis_name="c", subcore_axis_name="s"),
    scratch_types=[
        pltpu.VMEM((NCH, CHUNK), jnp.int32),
        pltpu.VMEM((4, CHUNK), jnp.int32),
        pltpu.VMEM((CHUNK, D), jnp.float32),
        pltpu.VMEM((CHUNK, D), jnp.float32),
        pltpu.VMEM_SHARED((NPAD, D), jnp.float32),
        pltpu.SemaphoreType.DMA,
        pltpu.SemaphoreType.DMA,
        pltpu.SemaphoreType.DMA,
    ],
)


BLK = 1000


def _tc_root_body(h_ref, wroot, b_ref, o_ref):
    o_ref[...] = lax.dot_general(
        h_ref[...], wroot[...], (((1,), (1,)), ((), ())),
        preferred_element_type=jnp.float32) + b_ref[...]


def _tc_root(h, wroot_t, b2d):
    return pl.pallas_call(
        _tc_root_body,
        grid=(N // BLK,),
        in_specs=[
            pl.BlockSpec((BLK, D), lambda i: (i, 0)),
            pl.BlockSpec((D, D), lambda i: (0, 0)),
            pl.BlockSpec((1, D), lambda i: (0, 0)),
        ],
        out_specs=pl.BlockSpec((BLK, D), lambda i: (i, 0)),
        out_shape=jax.ShapeDtypeStruct((N, D), jnp.float32),
    )(h, wroot_t, b2d)


def _tc_rel_body(p_ref, r_ref, wrel, flag_ref, o_ref):
    a = p_ref[0] + p_ref[1]
    acc = lax.dot_general(a, wrel[...], (((1,), (1,)), ((), ())),
                          preferred_element_type=jnp.float32)
    acc = acc + r_ref[...]
    acc = jnp.where(flag_ref[...] > 0.5, jnp.maximum(acc, 0.0), acc)
    o_ref[...] = acc


def _tc_rel(p, r, wrel_t, flag2d):
    return pl.pallas_call(
        _tc_rel_body,
        grid=(N // BLK,),
        in_specs=[
            pl.BlockSpec((NC, BLK, D), lambda i: (0, i, 0)),
            pl.BlockSpec((BLK, D), lambda i: (i, 0)),
            pl.BlockSpec((D, D), lambda i: (0, 0)),
            pl.BlockSpec((1, D), lambda i: (0, 0)),
        ],
        out_specs=pl.BlockSpec((BLK, D), lambda i: (i, 0)),
        out_shape=jax.ShapeDtypeStruct((N, D), jnp.float32),
    )(p, r, wrel_t, flag2d)


def _tc_pack_body(ei_ref, o_ref):
    p = jnp.left_shift(ei_ref[0], 14) | ei_ref[1]
    ar = lax.iota(jnp.int32, EPAD - E) % (NPAD - N)
    junk = jnp.left_shift(ar, 14) | (N + ar)
    o_ref[...] = jnp.concatenate([p, junk]).reshape(NTILES, NCH, CHUNK)


def _tc_pack(edge_index):
    return pl.pallas_call(
        _tc_pack_body,
        out_shape=jax.ShapeDtypeStruct((NTILES, NCH, CHUNK), jnp.int32),
    )(edge_index)


def kernel(x, edge_index, W1_rel, W1_root, b1, W2_rel, W2_root, b2,
           W3_rel, W3_root, b3):
    pidx = _tc_pack(edge_index)

    wrel_s = jnp.stack([W1_rel, W2_rel, W3_rel])
    wroot_s = jnp.stack([W1_root, W2_root, W3_root])
    bias = jnp.stack([b1.reshape(1, D), b2.reshape(1, D), b3.reshape(1, D)])
    flags = jnp.stack([jnp.full((1, D), f, jnp.float32) for f in (1., 1., 0.)])

    def layer(h, xs):
        wr, wo, b2d_, fl = xs
        p = _sc_segsum(h, pidx)
        r = _tc_root(h, wo, b2d_)
        return _tc_rel(p, r, wr, fl), None

    h, _ = lax.scan(layer, x, (wrel_s, wroot_s, bias, flags))
    return h.reshape(-1)

# --- scband reference (transcript-rebuilt; emitter-appended) ---
"""Pipeline reference for scband-graph-nn-40209483825155 (READ-ONLY COPY).

The authoritative reference and input builder live on the scoring server;
editing this copy changes nothing except your own understanding.
"""

import jax, jax.numpy as jnp
import numpy as np

N = 10000
E = 320000
D_IN = 128
D_H = 128
D_OUT = 128


def _glorot(key, shape):
    fan_in = shape[1]
    return jax.random.normal(key, shape, dtype=jnp.float32) / jnp.sqrt(jnp.float32(fan_in))


def setup_inputs(seed: int = 0) -> dict:
    key = jax.random.key(seed)
    ks = jax.random.split(key, 12)
    x = jax.random.normal(ks[0], (N, D_IN), dtype=jnp.float32)
    edge_index = jax.random.randint(ks[1], (2, E), 0, N, dtype=jnp.int32)
    W1_rel = _glorot(ks[2], (D_H, D_IN))
    W1_root = _glorot(ks[3], (D_H, D_IN))
    b1 = jnp.zeros((D_H,), dtype=jnp.float32)
    W2_rel = _glorot(ks[4], (D_H, D_H))
    W2_root = _glorot(ks[5], (D_H, D_H))
    b2 = jnp.zeros((D_H,), dtype=jnp.float32)
    W3_rel = _glorot(ks[6], (D_OUT, D_H))
    W3_root = _glorot(ks[7], (D_OUT, D_H))
    b3 = jnp.zeros((D_OUT,), dtype=jnp.float32)
    return {
        'x': x, 'edge_index': edge_index,
        'W1_rel': W1_rel, 'W1_root': W1_root, 'b1': b1,
        'W2_rel': W2_rel, 'W2_root': W2_root, 'b2': b2,
        'W3_rel': W3_rel, 'W3_root': W3_root, 'b3': b3,
    }


def _graph_conv(x, edge_index, W_rel, W_root, b):
    # PyG GraphConv: out_i = W_root x_i + W_rel * sum_{j in N(i)} x_j + b
    src = edge_index[0]
    dst = edge_index[1]
    msg = jnp.take(x, src, axis=0)
    aggr = jax.ops.segment_sum(msg, dst, num_segments=N)
    return aggr @ W_rel.T + x @ W_root.T + b


def reference(x, edge_index, W1_rel, W1_root, b1, W2_rel, W2_root, b2, W3_rel, W3_root, b3):
    # dropout is identity in eval mode
    h = jax.nn.relu(_graph_conv(x, edge_index, W1_rel, W1_root, b1))
    h = jax.nn.relu(_graph_conv(h, edge_index, W2_rel, W2_root, b2))
    h = _graph_conv(h, edge_index, W3_rel, W3_root, b3)
    return h.reshape(-1)

if __name__ == "__main__":
    import jax
    _d = setup_inputs()
    print(jax.jit(kernel)(*tuple(_d.values())))

</pallas_src>

<mosaic_0001>
#map = affine_map<(d0, d1) -> (0, 0)>
#map1 = affine_map<(d0, d1) -> (0, 0, 0)>
module attributes {stable_mosaic.version = 14 : i64} {
  func.func @_sc_segsum_body(%arg0: i32, %arg1: i32, %arg2: memref<10000x128xf32, #tpu.memory_space<hbm>>, %arg3: memref<32x80x128xi32, #tpu.memory_space<hbm>>, %arg4: memref<2x10240x128xf32, #tpu.memory_space<hbm>>, %arg5: memref<80x128xi32, #tpu.memory_space<vmem>>, %arg6: memref<4x128xi32, #tpu.memory_space<vmem>>, %arg7: memref<128x128xf32, #tpu.memory_space<vmem>>, %arg8: memref<128x128xf32, #tpu.memory_space<vmem>>, %arg9: memref<10240x128xf32, #tpu.memory_space<vmem_shared>>, %arg10: memref<!tpu.dma_semaphore, #tpu.memory_space<semaphore_mem>>, %arg11: memref<!tpu.dma_semaphore, #tpu.memory_space<semaphore_mem>>, %arg12: memref<!tpu.dma_semaphore, #tpu.memory_space<semaphore_mem>>) attributes {dimension_semantics = [#tpu.dimension_semantics<core_parallel>, #tpu.dimension_semantics<subcore_parallel>], iteration_bounds = array<i64: 2, 16>, scalar_prefetch = 0 : i64, scratch_operands = 8 : i64, tpu.core_type = #tpu.core_type<sc_vector_subcore>, window_params = [{transform_indices = #map}, {transform_indices = #map1}, {transform_indices = #map1}]} {
    %mul3A = arith.constant 16 : i32
    %mul3A_0 = arith.muli %arg0, %mul3A : i32
    %add3A = arith.addi %mul3A_0, %arg1 : i32
    %dma_start3A = arith.constant 0 : i32
    %dma_start3A_1 = arith.constant 0 : i32
    %dma_start3A_2 = tpu.memref_slice %arg3[%add3A, %dma_start3A, %dma_start3A_1] : memref<32x80x128xi32, #tpu.memory_space<hbm>> -> memref<1x80x128xi32, #tpu.memory_space<hbm>>
    %dma_start3A_3 = tpu.memref_squeeze %dma_start3A_2 : memref<1x80x128xi32, #tpu.memory_space<hbm>> -> memref<80x128xi32, #tpu.memory_space<hbm>>
    %dma_start3A_4 = arith.constant 0 : i32
    %dma_start3A_5 = arith.constant 0 : i32
    %dma_start3A_6 = tpu.memref_slice %arg3[%add3A, %dma_start3A_4, %dma_start3A_5] : memref<32x80x128xi32, #tpu.memory_space<hbm>> -> memref<1x80x128xi32, #tpu.memory_space<hbm>>
    %dma_start3A_7 = tpu.memref_squeeze %dma_start3A_6 : memref<1x80x128xi32, #tpu.memory_space<hbm>> -> memref<80x128xi32, #tpu.memory_space<hbm>>
    tpu.enqueue_dma source(%dma_start3A_7 : memref<80x128xi32, #tpu.memory_space<hbm>>) target(%arg5 : memref<80x128xi32, #tpu.memory_space<vmem>>) target_semaphore(%arg10 : memref<!tpu.dma_semaphore, #tpu.memory_space<semaphore_mem>>)
    %scan3A = arith.constant 0 : i32
    %scan3A_8 = arith.constant 128 : i32
    %scan3A_9 = arith.addi %scan3A, %scan3A_8 : i32
    %scan3A_10 = arith.constant 1 : i32
    scf.for %scan3A_264 = %scan3A to %scan3A_9 step %scan3A_10  : i32 {
      %mul3A_265 = arith.constant 1 : i32
      %mul3A_266 = arith.muli %scan3A_264, %mul3A_265 : i32
      %add3A_267 = arith.constant 0 : i32
      %add3A_268 = arith.addi %add3A_267, %mul3A_266 : i32
      %broadcast_in_dim3A = arith.constant 0.000000e+00 : f32
      %broadcast_in_dim3A_269 = vector.broadcast %broadcast_in_dim3A : f32 to vector<16xf32>
      %swap3A_270 = arith.index_cast %add3A_268 : i32 to index
      %swap3A_271 = arith.constant 0 : index
      %swap3A_272 = tpu.vector_load %arg8[%swap3A_270, %swap3A_271] {strides = array<i32>} : memref<128x128xf32, #tpu.memory_space<vmem>>, vector<1x16xf32>,
      %swap3A_273 = vector.shape_cast %swap3A_272 : vector<1x16xf32> to vector<16xf32>
      %swap3A_274 = vector.shape_cast %broadcast_in_dim3A_269 : vector<16xf32> to vector<1x16xf32>
      tpu.vector_store %arg8[%swap3A_270, %swap3A_271], %swap3A_274 {strides = array<i32>} : memref<128x128xf32, #tpu.memory_space<vmem>>, vector<1x16xf32>,
      %broadcast_in_dim3A_275 = arith.constant 0.000000e+00 : f32
      %broadcast_in_dim3A_276 = vector.broadcast %broadcast_in_dim3A_275 : f32 to vector<16xf32>
      %swap3A_277 = arith.index_cast %add3A_268 : i32 to index
      %swap3A_278 = arith.constant 16 : index
      %swap3A_279 = tpu.vector_load %arg8[%swap3A_277, %swap3A_278] {strides = array<i32>} : memref<128x128xf32, #tpu.memory_space<vmem>>, vector<1x16xf32>,
      %swap3A_280 = vector.shape_cast %swap3A_279 : vector<1x16xf32> to vector<16xf32>
      %swap3A_281 = vector.shape_cast %broadcast_in_dim3A_276 : vector<16xf32> to vector<1x16xf32>
      tpu.vector_store %arg8[%swap3A_277, %swap3A_278], %swap3A_281 {strides = array<i32>} : memref<128x128xf32, #tpu.memory_space<vmem>>, vector<1x16xf32>,
      %broadcast_in_dim3A_282 = arith.constant 0.000000e+00 : f32
      %broadcast_in_dim3A_283 = vector.broadcast %broadcast_in_dim3A_282 : f32 to vector<16xf32>
      %swap3A_284 = arith.index_cast %add3A_268 : i32 to index
      %swap3A_285 = arith.constant 32 : index
      %swap3A_286 = tpu.vector_load %arg8[%swap3A_284, %swap3A_285] {strides = array<i32>} : memref<128x128xf32, #tpu.memory_space<vmem>>, vector<1x16xf32>,
      %swap3A_287 = vector.shape_cast %swap3A_286 : vector<1x16xf32> to vector<16xf32>
      %swap3A_288 = vector.shape_cast %broadcast_in_dim3A_283 : vector<16xf32> to vector<1x16xf32>
      tpu.vector_store %arg8[%swap3A_284, %swap3A_285], %swap3A_288 {strides = array<i32>} : memref<128x128xf32, #tpu.memory_space<vmem>>, vector<1x16xf32>,
      %broadcast_in_dim3A_289 = arith.constant 0.000000e+00 : f32
      %broadcast_in_dim3A_290 = vector.broadcast %broadcast_in_dim3A_289 : f32 to vector<16xf32>
      %swap3A_291 = arith.index_cast %add3A_268 : i32 to index
      %swap3A_292 = arith.constant 48 : index
      %swap3A_293 = tpu.vector_load %arg8[%swap3A_291, %swap3A_292] {strides = array<i32>} : memref<128x128xf32, #tpu.memory_space<vmem>>, vector<1x16xf32>,
      %swap3A_294 = vector.shape_cast %swap3A_293 : vector<1x16xf32> to vector<16xf32>
      %swap3A_295 = vector.shape_cast %broadcast_in_dim3A_290 : vector<16xf32> to vector<1x16xf32>
      tpu.vector_store %arg8[%swap3A_291, %swap3A_292], %swap3A_295 {strides = array<i32>} : memref<128x128xf32, #tpu.memory_space<vmem>>, vector<1x16xf32>,
      %broadcast_in_dim3A_296 = arith.constant 0.000000e+00 : f32
      %broadcast_in_dim3A_297 = vector.broadcast %broadcast_in_dim3A_296 : f32 to vector<16xf32>
      %swap3A_298 = arith.index_cast %add3A_268 : i32 to index
      %swap3A_299 = arith.constant 64 : index
      %swap3A_300 = tpu.vector_load %arg8[%swap3A_298, %swap3A_299] {strides = array<i32>} : memref<128x128xf32, #tpu.memory_space<vmem>>, vector<1x16xf32>,
      %swap3A_301 = vector.shape_cast %swap3A_300 : vector<1x16xf32> to vector<16xf32>
      %swap3A_302 = vector.shape_cast %broadcast_in_dim3A_297 : vector<16xf32> to vector<1x16xf32>
      tpu.vector_store %arg8[%swap3A_298, %swap3A_299], %swap3A_302 {strides = array<i32>} : memref<128x128xf32, #tpu.memory_space<vmem>>, vector<1x16xf32>,
      %broadcast_in_dim3A_303 = arith.constant 0.000000e+00 : f32
      %broadcast_in_dim3A_304 = vector.broadcast %broadcast_in_dim3A_303 : f32 to vector<16xf32>
      %swap3A_305 = arith.index_cast %add3A_268 : i32 to index
      %swap3A_306 = arith.constant 80 : index
      %swap3A_307 = tpu.vector_load %arg8[%swap3A_305, %swap3A_306] {strides = array<i32>} : memref<128x128xf32, #tpu.memory_space<vmem>>, vector<1x16xf32>,
      %swap3A_308 = vector.shape_cast %swap3A_307 : vector<1x16xf32> to vector<16xf32>
      %swap3A_309 = vector.shape_cast %broadcast_in_dim3A_304 : vector<16xf32> to vector<1x16xf32>
      tpu.vector_store %arg8[%swap3A_305, %swap3A_306], %swap3A_309 {strides = array<i32>} : memref<128x128xf32, #tpu.memory_space<vmem>>, vector<1x16xf32>,
      %broadcast_in_dim3A_310 = arith.constant 0.000000e+00 : f32
      %broadcast_in_dim3A_311 = vector.broadcast %broadcast_in_dim3A_310 : f32 to vector<16xf32>
      %swap3A_312 = arith.index_cast %add3A_268 : i32 to index
      %swap3A_313 = arith.constant 96 : index
      %swap3A_314 = tpu.vector_load %arg8[%swap3A_312, %swap3A_313] {strides = array<i32>} : memref<128x128xf32, #tpu.memory_space<vmem>>, vector<1x16xf32>,
      %swap3A_315 = vector.shape_cast %swap3A_314 : vector<1x16xf32> to vector<16xf32>
      %swap3A_316 = vector.shape_cast %broadcast_in_dim3A_311 : vector<16xf32> to vector<1x16xf32>
      tpu.vector_store %arg8[%swap3A_312, %swap3A_313], %swap3A_316 {strides = array<i32>} : memref<128x128xf32, #tpu.memory_space<vmem>>, vector<1x16xf32>,
      %broadcast_in_dim3A_317 = arith.constant 0.000000e+00 : f32
      %broadcast_in_dim3A_318 = vector.broadcast %broadcast_in_dim3A_317 : f32 to vector<16xf32>
      %swap3A_319 = arith.index_cast %add3A_268 : i32 to index
      %swap3A_320 = arith.constant 112 : index
      %swap3A_321 = tpu.vector_load %arg8[%swap3A_319, %swap3A_320] {strides = array<i32>} : memref<128x128xf32, #tpu.memory_space<vmem>>, vector<1x16xf32>,
      %swap3A_322 = vector.shape_cast %swap3A_321 : vector<1x16xf32> to vector<16xf32>
      %swap3A_323 = vector.shape_cast %broadcast_in_dim3A_318 : vector<16xf32> to vector<1x16xf32>
      tpu.vector_store %arg8[%swap3A_319, %swap3A_320], %swap3A_323 {strides = array<i32>} : memref<128x128xf32, #tpu.memory_space<vmem>>, vector<1x16xf32>,
    }
    %scan3A_11 = arith.constant 128 : i32
    %mul3A_12 = arith.constant 640 : i32
    %mul3A_13 = arith.muli %arg1, %mul3A_12 : i32
    %add3A_14 = arith.constant 0 : i32
    %add3A_15 = arith.addi %mul3A_13, %add3A_14 : i32
    %dma_start3A_16 = arith.constant 0 : i32
    %dma_start3A_17 = tpu.memref_slice %arg9[%add3A_15, %dma_start3A_16] : memref<10240x128xf32, #tpu.memory_space<vmem_shared>> -> memref<128x128xf32, #tpu.memory_space<vmem_shared>>
    %dma_start3A_18 = arith.constant 0 : i32
    %dma_start3A_19 = tpu.memref_slice %arg9[%add3A_15, %dma_start3A_18] : memref<10240x128xf32, #tpu.memory_space<vmem_shared>> -> memref<128x128xf32, #tpu.memory_space<vmem_shared>>
    tpu.enqueue_dma source(%arg8 : memref<128x128xf32, #tpu.memory_space<vmem>>) target(%dma_start3A_19 : memref<128x128xf32, #tpu.memory_space<vmem_shared>>) target_semaphore(%arg12 : memref<!tpu.dma_semaphore, #tpu.memory_space<semaphore_mem>>)
    %add3A_20 = arith.constant 128 : i32
    %add3A_21 = arith.addi %mul3A_13, %add3A_20 : i32
    %dma_start3A_22 = arith.constant 0 : i32
    %dma_start3A_23 = tpu.memref_slice %arg9[%add3A_21, %dma_start3A_22] : memref<10240x128xf32, #tpu.memory_space<vmem_shared>> -> memref<128x128xf32, #tpu.memory_space<vmem_shared>>
    %dma_start3A_24 = arith.constant 0 : i32
    %dma_start3A_25 = tpu.memref_slice %arg9[%add3A_21, %dma_start3A_24] : memref<10240x128xf32, #tpu.memory_space<vmem_shared>> -> memref<128x128xf32, #tpu.memory_space<vmem_shared>>
    tpu.enqueue_dma source(%arg8 : memref<128x128xf32, #tpu.memory_space<vmem>>) target(%dma_start3A_25 : memref<128x128xf32, #tpu.memory_space<vmem_shared>>) target_semaphore(%arg12 : memref<!tpu.dma_semaphore, #tpu.memory_space<semaphore_mem>>)
    %add3A_26 = arith.constant 256 : i32
    %add3A_27 = arith.addi %mul3A_13, %add3A_26 : i32
    %dma_start3A_28 = arith.constant 0 : i32
    %dma_start3A_29 = tpu.memref_slice %arg9[%add3A_27, %dma_start3A_28] : memref<10240x128xf32, #tpu.memory_space<vmem_shared>> -> memref<128x128xf32, #tpu.memory_space<vmem_shared>>
    %dma_start3A_30 = arith.constant 0 : i32
    %dma_start3A_31 = tpu.memref_slice %arg9[%add3A_27, %dma_start3A_30] : memref<10240x128xf32, #tpu.memory_space<vmem_shared>> -> memref<128x128xf32, #tpu.memory_space<vmem_shared>>
    tpu.enqueue_dma source(%arg8 : memref<128x128xf32, #tpu.memory_space<vmem>>) target(%dma_start3A_31 : memref<128x128xf32, #tpu.memory_space<vmem_shared>>) target_semaphore(%arg12 : memref<!tpu.dma_semaphore, #tpu.memory_space<semaphore_mem>>)
    %add3A_32 = arith.constant 384 : i32
    %add3A_33 = arith.addi %mul3A_13, %add3A_32 : i32
    %dma_start3A_34 = arith.constant 0 : i32
    %dma_start3A_35 = tpu.memref_slice %arg9[%add3A_33, %dma_start3A_34] : memref<10240x128xf32, #tpu.memory_space<vmem_shared>> -> memref<128x128xf32, #tpu.memory_space<vmem_shared>>
    %dma_start3A_36 = arith.constant 0 : i32
    %dma_start3A_37 = tpu.memref_slice %arg9[%add3A_33, %dma_start3A_36] : memref<10240x128xf32, #tpu.memory_space<vmem_shared>> -> memref<128x128xf32, #tpu.memory_space<vmem_shared>>
    tpu.enqueue_dma source(%arg8 : memref<128x128xf32, #tpu.memory_space<vmem>>) target(%dma_start3A_37 : memref<128x128xf32, #tpu.memory_space<vmem_shared>>) target_semaphore(%arg12 : memref<!tpu.dma_semaphore, #tpu.memory_space<semaphore_mem>>)
    %add3A_38 = arith.constant 512 : i32
    %add3A_39 = arith.addi %mul3A_13, %add3A_38 : i32
    %dma_start3A_40 = arith.constant 0 : i32
    %dma_start3A_41 = tpu.memref_slice %arg9[%add3A_39, %dma_start3A_40] : memref<10240x128xf32, #tpu.memory_space<vmem_shared>> -> memref<128x128xf32, #tpu.memory_space<vmem_shared>>
    %dma_start3A_42 = arith.constant 0 : i32
    %dma_start3A_43 = tpu.memref_slice %arg9[%add3A_39, %dma_start3A_42] : memref<10240x128xf32, #tpu.memory_space<vmem_shared>> -> memref<128x128xf32, #tpu.memory_space<vmem_shared>>
    tpu.enqueue_dma source(%arg8 : memref<128x128xf32, #tpu.memory_space<vmem>>) target(%dma_start3A_43 : memref<128x128xf32, #tpu.memory_space<vmem_shared>>) target_semaphore(%arg12 : memref<!tpu.dma_semaphore, #tpu.memory_space<semaphore_mem>>)
    %dma_wait3A = arith.constant 0 : i32
    %dma_wait3A_44 = arith.constant 0 : i32
    %dma_wait3A_45 = tpu.memref_slice %arg3[%add3A, %dma_wait3A, %dma_wait3A_44] : memref<32x80x128xi32, #tpu.memory_space<hbm>> -> memref<1x80x128xi32, #tpu.memory_space<hbm>>
    %dma_wait3A_46 = tpu.memref_squeeze %dma_wait3A_45 : memref<1x80x128xi32, #tpu.memory_space<hbm>> -> memref<80x128xi32, #tpu.memory_space<hbm>>
    %dma_wait3A_47 = arith.constant 0 : i32
    %dma_wait3A_48 = arith.constant 0 : i32
    %dma_wait3A_49 = tpu.memref_slice %arg3[%add3A, %dma_wait3A_47, %dma_wait3A_48] : memref<32x80x128xi32, #tpu.memory_space<hbm>> -> memref<1x80x128xi32, #tpu.memory_space<hbm>>
    %dma_wait3A_50 = tpu.memref_squeeze %dma_wait3A_49 : memref<1x80x128xi32, #tpu.memory_space<hbm>> -> memref<80x128xi32, #tpu.memory_space<hbm>>
    tpu.wait_dma2 semaphore(%arg10 : memref<!tpu.dma_semaphore, #tpu.memory_space<semaphore_mem>>) src(%dma_wait3A_50 : memref<80x128xi32, #tpu.memory_space<hbm>>) dst(%arg5 : memref<80x128xi32, #tpu.memory_space<vmem>>)
    %get3A = arith.constant 0 : i32
    %get3A_51 = arith.index_cast %get3A : i32 to index
    %get3A_52 = arith.constant 0 : index
    %get3A_53 = tpu.vector_load %arg5[%get3A_51, %get3A_52] {strides = array<i32>} : memref<80x128xi32, #tpu.memory_space<vmem>>, vector<1x16xi32>,
    %get3A_54 = vector.shape_cast %get3A_53 : vector<1x16xi32> to vector<16xi32>
    %shift_right_logical3A = arith.constant 14 : i32
    %shift_right_logical3A_55 = vector.broadcast %shift_right_logical3A : i32 to vector<16xi32>
    %shift_right_logical3A_56 = arith.shrui %get3A_54, %shift_right_logical3A_55 : vector<16xi32>
    %swap3A = arith.constant 0 : i32
    %swap3A_57 = arith.index_cast %swap3A : i32 to index
    %swap3A_58 = arith.constant 0 : index
    %swap3A_59 = tpu.vector_load %arg6[%swap3A_57, %swap3A_58] {strides = array<i32>} : memref<4x128xi32, #tpu.memory_space<vmem>>, vector<1x16xi32>,
    %swap3A_60 = vector.shape_cast %swap3A_59 : vector<1x16xi32> to vector<16xi32>
    %swap3A_61 = vector.shape_cast %shift_right_logical3A_56 : vector<16xi32> to vector<1x16xi32>
    tpu.vector_store %arg6[%swap3A_57, %swap3A_58], %swap3A_61 {strides = array<i32>} : memref<4x128xi32, #tpu.memory_space<vmem>>, vector<1x16xi32>,
    %and3A = arith.constant 16383 : i32
    %and3A_62 = vector.broadcast %and3A : i32 to vector<16xi32>
    %and3A_63 = arith.andi %get3A_54, %and3A_62 : vector<16xi32>
    %swap3A_64 = arith.constant 1 : i32
    %swap3A_65 = arith.index_cast %swap3A_64 : i32 to index
    %swap3A_66 = arith.constant 0 : index
    %swap3A_67 = tpu.vector_load %arg6[%swap3A_65, %swap3A_66] {strides = array<i32>} : memref<4x128xi32, #tpu.memory_space<vmem>>, vector<1x16xi32>,
    %swap3A_68 = vector.shape_cast %swap3A_67 : vector<1x16xi32> to vector<16xi32>
    %swap3A_69 = vector.shape_cast %and3A_63 : vector<16xi32> to vector<1x16xi32>
    tpu.vector_store %arg6[%swap3A_65, %swap3A_66], %swap3A_69 {strides = array<i32>} : memref<4x128xi32, #tpu.memory_space<vmem>>, vector<1x16xi32>,
    %get3A_70 = arith.constant 0 : i32
    %get3A_71 = arith.index_cast %get3A_70 : i32 to index
    %get3A_72 = arith.constant 16 : index
    %get3A_73 = tpu.vector_load %arg5[%get3A_71, %get3A_72] {strides = array<i32>} : memref<80x128xi32, #tpu.memory_space<vmem>>, vector<1x16xi32>,
    %get3A_74 = vector.shape_cast %get3A_73 : vector<1x16xi32> to vector<16xi32>
    %shift_right_logical3A_75 = arith.constant 14 : i32
    %shift_right_logical3A_76 = vector.broadcast %shift_right_logical3A_75 : i32 to vector<16xi32>
    %shift_right_logical3A_77 = arith.shrui %get3A_74, %shift_right_logical3A_76 : vector<16xi32>
    %swap3A_78 = arith.constant 0 : i32
    %swap3A_79 = arith.index_cast %swap3A_78 : i32 to index
    %swap3A_80 = arith.constant 16 : index
    %swap3A_81 = tpu.vector_load %arg6[%swap3A_79, %swap3A_80] {strides = array<i32>} : memref<4x128xi32, #tpu.memory_space<vmem>>, vector<1x16xi32>,
    %swap3A_82 = vector.shape_cast %swap3A_81 : vector<1x16xi32> to vector<16xi32>
    %swap3A_83 = vector.shape_cast %shift_right_logical3A_77 : vector<16xi32> to vector<1x16xi32>
    tpu.vector_store %arg6[%swap3A_79, %swap3A_80], %swap3A_83 {strides = array<i32>} : memref<4x128xi32, #tpu.memory_space<vmem>>, vector<1x16xi32>,
    %and3A_84 = arith.constant 16383 : i32
    %and3A_85 = vector.broadcast %and3A_84 : i32 to vector<16xi32>
    %and3A_86 = arith.andi %get3A_74, %and3A_85 : vector<16xi32>
    %swap3A_87 = arith.constant 1 : i32
    %swap3A_88 = arith.index_cast %swap3A_87 : i32 to index
    %swap3A_89 = arith.constant 16 : index
    %swap3A_90 = tpu.vector_load %arg6[%swap3A_88, %swap3A_89] {strides = array<i32>} : memref<4x128xi32, #tpu.memory_space<vmem>>, vector<1x16xi32>,
    %swap3A_91 = vector.shape_cast %swap3A_90 : vector<1x16xi32> to vector<16xi32>
    %swap3A_92 = vector.shape_cast %and3A_86 : vector<16xi32> to vector<1x16xi32>
    tpu.vector_store %arg6[%swap3A_88, %swap3A_89], %swap3A_92 {strides = array<i32>} : memref<4x128xi32, #tpu.memory_space<vmem>>, vector<1x16xi32>,
    %get3A_93 = arith.constant 0 : i32
    %get3A_94 = arith.index_cast %get3A_93 : i32 to index
    %get3A_95 = arith.constant 32 : index
    %get3A_96 = tpu.vector_load %arg5[%get3A_94, %get3A_95] {strides = array<i32>} : memref<80x128xi32, #tpu.memory_space<vmem>>, vector<1x16xi32>,
    %get3A_97 = vector.shape_cast %get3A_96 : vector<1x16xi32> to vector<16xi32>
    %shift_right_logical3A_98 = arith.constant 14 : i32
    %shift_right_logical3A_99 = vector.broadcast %shift_right_logical3A_98 : i32 to vector<16xi32>
    %shift_right_logical3A_100 = arith.shrui %get3A_97, %shift_right_logical3A_99 : vector<16xi32>
    %swap3A_101 = arith.constant 0 : i32
    %swap3A_102 = arith.index_cast %swap3A_101 : i32 to index
    %swap3A_103 = arith.constant 32 : index
    %swap3A_104 = tpu.vector_load %arg6[%swap3A_102, %swap3A_103] {strides = array<i32>} : memref<4x128xi32, #tpu.memory_space<vmem>>, vector<1x16xi32>,
    %swap3A_105 = vector.shape_cast %swap3A_104 : vector<1x16xi32> to vector<16xi32>
    %swap3A_106 = vector.shape_cast %shift_right_logical3A_100 : vector<16xi32> to vector<1x16xi32>
    tpu.vector_store %arg6[%swap3A_102, %swap3A_103], %swap3A_106 {strides = array<i32>} : memref<4x128xi32, #tpu.memory_space<vmem>>, vector<1x16xi32>,
    %and3A_107 = arith.constant 16383 : i32
    %and3A_108 = vector.broadcast %and3A_107 : i32 to vector<16xi32>
    %and3A_109 = arith.andi %get3A_97, %and3A_108 : vector<16xi32>
    %swap3A_110 = arith.constant 1 : i32
    %swap3A_111 = arith.index_cast %swap3A_110 : i32 to index
    %swap3A_112 = arith.constant 32 : index
    %swap3A_113 = tpu.vector_load %arg6[%swap3A_111, %swap3A_112] {strides = array<i32>} : memref<4x128xi32, #tpu.memory_space<vmem>>, vector<1x16xi32>,
    %swap3A_114 = vector.shape_cast %swap3A_113 : vector<1x16xi32> to vector<16xi32>
    %swap3A_115 = vector.shape_cast %and3A_109 : vector<16xi32> to vector<1x16xi32>
    tpu.vector_store %arg6[%swap3A_111, %swap3A_112], %swap3A_115 {strides = array<i32>} : memref<4x128xi32, #tpu.memory_space<vmem>>, vector<1x16xi32>,
    %get3A_116 = arith.constant 0 : i32
    %get3A_117 = arith.index_cast %get3A_116 : i32 to index
    %get3A_118 = arith.constant 48 : index
    %get3A_119 = tpu.vector_load %arg5[%get3A_117, %get3A_118] {strides = array<i32>} : memref<80x128xi32, #tpu.memory_space<vmem>>, vector<1x16xi32>,
    %get3A_120 = vector.shape_cast %get3A_119 : vector<1x16xi32> to vector<16xi32>
    %shift_right_logical3A_121 = arith.constant 14 : i32
    %shift_right_logical3A_122 = vector.broadcast %shift_right_logical3A_121 : i32 to vector<16xi32>
    %shift_right_logical3A_123 = arith.shrui %get3A_120, %shift_right_logical3A_122 : vector<16xi32>
    %swap3A_124 = arith.constant 0 : i32
    %swap3A_125 = arith.index_cast %swap3A_124 : i32 to index
    %swap3A_126 = arith.constant 48 : index
    %swap3A_127 = tpu.vector_load %arg6[%swap3A_125, %swap3A_126] {strides = array<i32>} : memref<4x128xi32, #tpu.memory_space<vmem>>, vector<1x16xi32>,
    %swap3A_128 = vector.shape_cast %swap3A_127 : vector<1x16xi32> to vector<16xi32>
    %swap3A_129 = vector.shape_cast %shift_right_logical3A_123 : vector<16xi32> to vector<1x16xi32>
    tpu.vector_store %arg6[%swap3A_125, %swap3A_126], %swap3A_129 {strides = array<i32>} : memref<4x128xi32, #tpu.memory_space<vmem>>, vector<1x16xi32>,
    %and3A_130 = arith.constant 16383 : i32
    %and3A_131 = vector.broadcast %and3A_130 : i32 to vector<16xi32>
    %and3A_132 = arith.andi %get3A_120, %and3A_131 : vector<16xi32>
    %swap3A_133 = arith.constant 1 : i32
    %swap3A_134 = arith.index_cast %swap3A_133 : i32 to index
    %swap3A_135 = arith.constant 48 : index
    %swap3A_136 = tpu.vector_load %arg6[%swap3A_134, %swap3A_135] {strides = array<i32>} : memref<4x128xi32, #tpu.memory_space<vmem>>, vector<1x16xi32>,
    %swap3A_137 = vector.shape_cast %swap3A_136 : vector<1x16xi32> to vector<16xi32>
    %swap3A_138 = vector.shape_cast %and3A_132 : vector<16xi32> to vector<1x16xi32>
    tpu.vector_store %arg6[%swap3A_134, %swap3A_135], %swap3A_138 {strides = array<i32>} : memref<4x128xi32, #tpu.memory_space<vmem>>, vector<1x16xi32>,
    %get3A_139 = arith.constant 0 : i32
    %get3A_140 = arith.index_cast %get3A_139 : i32 to index
    %get3A_141 = arith.constant 64 : index
    %get3A_142 = tpu.vector_load %arg5[%get3A_140, %get3A_141] {strides = array<i32>} : memref<80x128xi32, #tpu.memory_space<vmem>>, vector<1x16xi32>,
    %get3A_143 = vector.shape_cast %get3A_142 : vector<1x16xi32> to vector<16xi32>
    %shift_right_logical3A_144 = arith.constant 14 : i32
    %shift_right_logical3A_145 = vector.broadcast %shift_right_logical3A_144 : i32 to vector<16xi32>
    %shift_right_logical3A_146 = arith.shrui %get3A_143, %shift_right_logical3A_145 : vector<16xi32>
    %swap3A_147 = arith.constant 0 : i32
    %swap3A_148 = arith.index_cast %swap3A_147 : i32 to index
    %swap3A_149 = arith.constant 64 : index
    %swap3A_150 = tpu.vector_load %arg6[%swap3A_148, %swap3A_149] {strides = array<i32>} : memref<4x128xi32, #tpu.memory_space<vmem>>, vector<1x16xi32>,
    %swap3A_151 = vector.shape_cast %swap3A_150 : vector<1x16xi32> to vector<16xi32>
    %swap3A_152 = vector.shape_cast %shift_right_logical3A_146 : vector<16xi32> to vector<1x16xi32>
    tpu.vector_store %arg6[%swap3A_148, %swap3A_149], %swap3A_152 {strides = array<i32>} : memref<4x128xi32, #tpu.memory_space<vmem>>, vector<1x16xi32>,
    %and3A_153 = arith.constant 16383 : i32
    %and3A_154 = vector.broadcast %and3A_153 : i32 to vector<16xi32>
    %and3A_155 = arith.andi %get3A_143, %and3A_154 : vector<16xi32>
    %swap3A_156 = arith.constant 1 : i32
    %swap3A_157 = arith.index_cast %swap3A_156 : i32 to index
    %swap3A_158 = arith.constant 64 : index
    %swap3A_159 = tpu.vector_load %arg6[%swap3A_157, %swap3A_158] {strides = array<i32>} : memref<4x128xi32, #tpu.memory_space<vmem>>, vector<1x16xi32>,
    %swap3A_160 = vector.shape_cast %swap3A_159 : vector<1x16xi32> to vector<16xi32>
    %swap3A_161 = vector.shape_cast %and3A_155 : vector<16xi32> to vector<1x16xi32>
    tpu.vector_store %arg6[%swap3A_157, %swap3A_158], %swap3A_161 {strides = array<i32>} : memref<4x128xi32, #tpu.memory_space<vmem>>, vector<1x16xi32>,
    %get3A_162 = arith.constant 0 : i32
    %get3A_163 = arith.index_cast %get3A_162 : i32 to index
    %get3A_164 = arith.constant 80 : index
    %get3A_165 = tpu.vector_load %arg5[%get3A_163, %get3A_164] {strides = array<i32>} : memref<80x128xi32, #tpu.memory_space<vmem>>, vector<1x16xi32>,
    %get3A_166 = vector.shape_cast %get3A_165 : vector<1x16xi32> to vector<16xi32>
    %shift_right_logical3A_167 = arith.constant 14 : i32
    %shift_right_logical3A_168 = vector.broadcast %shift_right_logical3A_167 : i32 to vector<16xi32>
    %shift_right_logical3A_169 = arith.shrui %get3A_166, %shift_right_logical3A_168 : vector<16xi32>
    %swap3A_170 = arith.constant 0 : i32
    %swap3A_171 = arith.index_cast %swap3A_170 : i32 to index
    %swap3A_172 = arith.constant 80 : index
    %swap3A_173 = tpu.vector_load %arg6[%swap3A_171, %swap3A_172] {strides = array<i32>} : memref<4x128xi32, #tpu.memory_space<vmem>>, vector<1x16xi32>,
    %swap3A_174 = vector.shape_cast %swap3A_173 : vector<1x16xi32> to vector<16xi32>
    %swap3A_175 = vector.shape_cast %shift_right_logical3A_169 : vector<16xi32> to vector<1x16xi32>
    tpu.vector_store %arg6[%swap3A_171, %swap3A_172], %swap3A_175 {strides = array<i32>} : memref<4x128xi32, #tpu.memory_space<vmem>>, vector<1x16xi32>,
    %and3A_176 = arith.constant 16383 : i32
    %and3A_177 = vector.broadcast %and3A_176 : i32 to vector<16xi32>
    %and3A_178 = arith.andi %get3A_166, %and3A_177 : vector<16xi32>
    %swap3A_179 = arith.constant 1 : i32
    %swap3A_180 = arith.index_cast %swap3A_179 : i32 to index
    %swap3A_181 = arith.constant 80 : index
    %swap3A_182 = tpu.vector_load %arg6[%swap3A_180, %swap3A_181] {strides = array<i32>} : memref<4x128xi32, #tpu.memory_space<vmem>>, vector<1x16xi32>,
    %swap3A_183 = vector.shape_cast %swap3A_182 : vector<1x16xi32> to vector<16xi32>
    %swap3A_184 = vector.shape_cast %and3A_178 : vector<16xi32> to vector<1x16xi32>
    tpu.vector_store %arg6[%swap3A_180, %swap3A_181], %swap3A_184 {strides = array<i32>} : memref<4x128xi32, #tpu.memory_space<vmem>>, vector<1x16xi32>,
    %get3A_185 = arith.constant 0 : i32
    %get3A_186 = arith.index_cast %get3A_185 : i32 to index
    %get3A_187 = arith.constant 96 : index
    %get3A_188 = tpu.vector_load %arg5[%get3A_186, %get3A_187] {strides = array<i32>} : memref<80x128xi32, #tpu.memory_space<vmem>>, vector<1x16xi32>,
    %get3A_189 = vector.shape_cast %get3A_188 : vector<1x16xi32> to vector<16xi32>
    %shift_right_logical3A_190 = arith.constant 14 : i32
    %shift_right_logical3A_191 = vector.broadcast %shift_right_logical3A_190 : i32 to vector<16xi32>
    %shift_right_logical3A_192 = arith.shrui %get3A_189, %shift_right_logical3A_191 : vector<16xi32>
    %swap3A_193 = arith.constant 0 : i32
    %swap3A_194 = arith.index_cast %swap3A_193 : i32 to index
    %swap3A_195 = arith.constant 96 : index
    %swap3A_196 = tpu.vector_load %arg6[%swap3A_194, %swap3A_195] {strides = array<i32>} : memref<4x128xi32, #tpu.memory_space<vmem>>, vector<1x16xi32>,
    %swap3A_197 = vector.shape_cast %swap3A_196 : vector<1x16xi32> to vector<16xi32>
    %swap3A_198 = vector.shape_cast %shift_right_logical3A_192 : vector<16xi32> to vector<1x16xi32>
    tpu.vector_store %arg6[%swap3A_194, %swap3A_195], %swap3A_198 {strides = array<i32>} : memref<4x128xi32, #tpu.memory_space<vmem>>, vector<1x16xi32>,
    %and3A_199 = arith.constant 16383 : i32
    %and3A_200 = vector.broadcast %and3A_199 : i32 to vector<16xi32>
    %and3A_201 = arith.andi %get3A_189, %and3A_200 : vector<16xi32>
    %swap3A_202 = arith.constant 1 : i32
    %swap3A_203 = arith.index_cast %swap3A_202 : i32 to index
    %swap3A_204 = arith.constant 96 : index
    %swap3A_205 = tpu.vector_load %arg6[%swap3A_203, %swap3A_204] {strides = array<i32>} : memref<4x128xi32, #tpu.memory_space<vmem>>, vector<1x16xi32>,
    %swap3A_206 = vector.shape_cast %swap3A_205 : vector<1x16xi32> to vector<16xi32>
    %swap3A_207 = vector.shape_cast %and3A_201 : vector<16xi32> to vector<1x16xi32>
    tpu.vector_store %arg6[%swap3A_203, %swap3A_204], %swap3A_207 {strides = array<i32>} : memref<4x128xi32, #tpu.memory_space<vmem>>, vector<1x16xi32>,
    %get3A_208 = arith.constant 0 : i32
    %get3A_209 = arith.index_cast %get3A_208 : i32 to index
    %get3A_210 = arith.constant 112 : index
    %get3A_211 = tpu.vector_load %arg5[%get3A_209, %get3A_210] {strides = array<i32>} : memref<80x128xi32, #tpu.memory_space<vmem>>, vector<1x16xi32>,
    %get3A_212 = vector.shape_cast %get3A_211 : vector<1x16xi32> to vector<16xi32>
    %shift_right_logical3A_213 = arith.constant 14 : i32
    %shift_right_logical3A_214 = vector.broadcast %shift_right_logical3A_213 : i32 to vector<16xi32>
    %shift_right_logical3A_215 = arith.shrui %get3A_212, %shift_right_logical3A_214 : vector<16xi32>
    %swap3A_216 = arith.constant 0 : i32
    %swap3A_217 = arith.index_cast %swap3A_216 : i32 to index
    %swap3A_218 = arith.constant 112 : index
    %swap3A_219 = tpu.vector_load %arg6[%swap3A_217, %swap3A_218] {strides = array<i32>} : memref<4x128xi32, #tpu.memory_space<vmem>>, vector<1x16xi32>,
    %swap3A_220 = vector.shape_cast %swap3A_219 : vector<1x16xi32> to vector<16xi32>
    %swap3A_221 = vector.shape_cast %shift_right_logical3A_215 : vector<16xi32> to vector<1x16xi32>
    tpu.vector_store %arg6[%swap3A_217, %swap3A_218], %swap3A_221 {strides = array<i32>} : memref<4x128xi32, #tpu.memory_space<vmem>>, vector<1x16xi32>,
    %and3A_222 = arith.constant 16383 : i32
    %and3A_223 = vector.broadcast %and3A_222 : i32 to vector<16xi32>
    %and3A_224 = arith.andi %get3A_212, %and3A_223 : vector<16xi32>
    %swap3A_225 = arith.constant 1 : i32
    %swap3A_226 = arith.index_cast %swap3A_225 : i32 to index
    %swap3A_227 = arith.constant 112 : index
    %swap3A_228 = tpu.vector_load %arg6[%swap3A_226, %swap3A_227] {strides = array<i32>} : memref<4x128xi32, #tpu.memory_space<vmem>>, vector<1x16xi32>,
    %swap3A_229 = vector.shape_cast %swap3A_228 : vector<1x16xi32> to vector<16xi32>
    %swap3A_230 = vector.shape_cast %and3A_224 : vector<16xi32> to vector<1x16xi32>
    tpu.vector_store %arg6[%swap3A_226, %swap3A_227], %swap3A_230 {strides = array<i32>} : memref<4x128xi32, #tpu.memory_space<vmem>>, vector<1x16xi32>,
    %dma_start3A_231 = arith.constant 0 : i32
    %dma_start3A_232 = arith.constant 0 : i32
    %dma_start3A_233 = tpu.memref_slice %arg6[%dma_start3A_231, %dma_start3A_232] : memref<4x128xi32, #tpu.memory_space<vmem>> -> memref<1x128xi32, #tpu.memory_space<vmem>>
    %dma_start3A_234 = tpu.memref_squeeze %dma_start3A_233 : memref<1x128xi32, #tpu.memory_space<vmem>> -> memref<128xi32, #tpu.memory_space<vmem>>
    %dma_start3A_235 = arith.constant 0 : i32
    %dma_start3A_236 = arith.constant 0 : i32
    %dma_start3A_237 = tpu.memref_slice %arg2[%dma_start3A_235, %dma_start3A_236] : memref<10000x128xf32, #tpu.memory_space<hbm>> -> memref<10000x128xf32, #tpu.memory_space<hbm>>
    tpu.enqueue_indirect_dma source(%dma_start3A_237 : memref<10000x128xf32, #tpu.memory_space<hbm>>) target(%arg7 : memref<128x128xf32, #tpu.memory_space<vmem>>) offsets(%dma_start3A_234 : memref<128xi32, #tpu.memory_space<vmem>>) semaphore(%arg10 : memref<!tpu.dma_semaphore, #tpu.memory_space<semaphore_mem>>)
    %dma_wait3A_238 = arith.constant 0 : i32
    %dma_wait3A_239 = tpu.memref_slice %arg9[%add3A_15, %dma_wait3A_238] : memref<10240x128xf32, #tpu.memory_space<vmem_shared>> -> memref<128x128xf32, #tpu.memory_space<vmem_shared>>
    %dma_wait3A_240 = arith.constant 0 : i32
    %dma_wait3A_241 = tpu.memref_slice %arg9[%add3A_15, %dma_wait3A_240] : memref<10240x128xf32, #tpu.memory_space<vmem_shared>> -> memref<128x128xf32, #tpu.memory_space<vmem_shared>>
    tpu.wait_dma2 semaphore(%arg12 : memref<!tpu.dma_semaphore, #tpu.memory_space<semaphore_mem>>) src(%arg8 : memref<128x128xf32, #tpu.memory_space<vmem>>) dst(%dma_wait3A_241 : memref<128x128xf32, #tpu.memory_space<vmem_shared>>)
    %dma_wait3A_242 = arith.constant 0 : i32
    %dma_wait3A_243 = tpu.memref_slice %arg9[%add3A_21, %dma_wait3A_242] : memref<10240x128xf32, #tpu.memory_space<vmem_shared>> -> memref<128x128xf32, #tpu.memory_space<vmem_shared>>
    %dma_wait3A_244 = arith.constant 0 : i32
    %dma_wait3A_245 = tpu.memref_slice %arg9[%add3A_21, %dma_wait3A_244] : memref<10240x128xf32, #tpu.memory_space<vmem_shared>> -> memref<128x128xf32, #tpu.memory_space<vmem_shared>>
    tpu.wait_dma2 semaphore(%arg12 : memref<!tpu.dma_semaphore, #tpu.memory_space<semaphore_mem>>) src(%arg8 : memref<128x128xf32, #tpu.memory_space<vmem>>) dst(%dma_wait3A_245 : memref<128x128xf32, #tpu.memory_space<vmem_shared>>)
    %dma_wait3A_246 = arith.constant 0 : i32
    %dma_wait3A_247 = tpu.memref_slice %arg9[%add3A_27, %dma_wait3A_246] : memref<10240x128xf32, #tpu.memory_space<vmem_shared>> -> memref<128x128xf32, #tpu.memory_space<vmem_shared>>
    %dma_wait3A_248 = arith.constant 0 : i32
    %dma_wait3A_249 = tpu.memref_slice %arg9[%add3A_27, %dma_wait3A_248] : memref<10240x128xf32, #tpu.memory_space<vmem_shared>> -> memref<128x128xf32, #tpu.memory_space<vmem_shared>>
    tpu.wait_dma2 semaphore(%arg12 : memref<!tpu.dma_semaphore, #tpu.memory_space<semaphore_mem>>) src(%arg8 : memref<128x128xf32, #tpu.memory_space<vmem>>) dst(%dma_wait3A_249 : memref<128x128xf32, #tpu.memory_space<vmem_shared>>)
    %dma_wait3A_250 = arith.constant 0 : i32
    %dma_wait3A_251 = tpu.memref_slice %arg9[%add3A_33, %dma_wait3A_250] : memref<10240x128xf32, #tpu.memory_space<vmem_shared>> -> memref<128x128xf32, #tpu.memory_space<vmem_shared>>
    %dma_wait3A_252 = arith.constant 0 : i32
    %dma_wait3A_253 = tpu.memref_slice %arg9[%add3A_33, %dma_wait3A_252] : memref<10240x128xf32, #tpu.memory_space<vmem_shared>> -> memref<128x128xf32, #tpu.memory_space<vmem_shared>>
    tpu.wait_dma2 semaphore(%arg12 : memref<!tpu.dma_semaphore, #tpu.memory_space<semaphore_mem>>) src(%arg8 : memref<128x128xf32, #tpu.memory_space<vmem>>) dst(%dma_wait3A_253 : memref<128x128xf32, #tpu.memory_space<vmem_shared>>)
    %dma_wait3A_254 = arith.constant 0 : i32
    %dma_wait3A_255 = tpu.memref_slice %arg9[%add3A_39, %dma_wait3A_254] : memref<10240x128xf32, #tpu.memory_space<vmem_shared>> -> memref<128x128xf32, #tpu.memory_space<vmem_shared>>
    %dma_wait3A_256 = arith.constant 0 : i32
    %dma_wait3A_257 = tpu.memref_slice %arg9[%add3A_39, %dma_wait3A_256] : memref<10240x128xf32, #tpu.memory_space<vmem_shared>> -> memref<128x128xf32, #tpu.memory_space<vmem_shared>>
    tpu.wait_dma2 semaphore(%arg12 : memref<!tpu.dma_semaphore, #tpu.memory_space<semaphore_mem>>) src(%arg8 : memref<128x128xf32, #tpu.memory_space<vmem>>) dst(%dma_wait3A_257 : memref<128x128xf32, #tpu.memory_space<vmem_shared>>)
    %barrier3A = arith.constant 0 : index
    tpu.barrier barrier_id(%barrier3A)
    %scan3A_258 = arith.constant 0 : i32
    %scan3A_259 = arith.constant 40 : i32
    %scan3A_260 = arith.addi %scan3A_258, %scan3A_259 : i32
    %scan3A_261 = arith.constant 1 : i32
    scf.for %scan3A_264 = %scan3A_258 to %scan3A_260 step %scan3A_261  : i32 {
      %mul3A_265 = arith.constant 2 : i32
      %mul3A_266 = arith.muli %scan3A_264, %mul3A_265 : i32
      %add3A_267 = arith.constant 0 : i32
      %add3A_268 = arith.addi %add3A_267, %mul3A_266 : i32
      %add3A_269 = arith.constant 1 : i32
      %add3A_270 = arith.addi %add3A_268, %add3A_269 : i32
      %get3A_271 = arith.index_cast %add3A_270 : i32 to index
      %get3A_272 = arith.constant 0 : index
      %get3A_273 = tpu.vector_load %arg5[%get3A_271, %get3A_272] {strides = array<i32>} : memref<80x128xi32, #tpu.memory_space<vmem>>, vector<1x16xi32>,
      %get3A_274 = vector.shape_cast %get3A_273 : vector<1x16xi32> to vector<16xi32>
      %shift_right_logical3A_275 = arith.constant 14 : i32
      %shift_right_logical3A_276 = vector.broadcast %shift_right_logical3A_275 : i32 to vector<16xi32>
      %shift_right_logical3A_277 = arith.shrui %get3A_274, %shift_right_logical3A_276 : vector<16xi32>
      %swap3A_278 = arith.constant 2 : i32
      %swap3A_279 = arith.index_cast %swap3A_278 : i32 to index
      %swap3A_280 = arith.constant 0 : index
      %swap3A_281 = tpu.vector_load %arg6[%swap3A_279, %swap3A_280] {strides = array<i32>} : memref<4x128xi32, #tpu.memory_space<vmem>>, vector<1x16xi32>,
      %swap3A_282 = vector.shape_cast %swap3A_281 : vector<1x16xi32> to vector<16xi32>
      %swap3A_283 = vector.shape_cast %shift_right_logical3A_277 : vector<16xi32> to vector<1x16xi32>
      tpu.vector_store %arg6[%swap3A_279, %swap3A_280], %swap3A_283 {strides = array<i32>} : memref<4x128xi32, #tpu.memory_space<vmem>>, vector<1x16xi32>,
      %and3A_284 = arith.constant 16383 : i32
      %and3A_285 = vector.broadcast %and3A_284 : i32 to vector<16xi32>
      %and3A_286 = arith.andi %get3A_274, %and3A_285 : vector<16xi32>
      %swap3A_287 = arith.constant 3 : i32
      %swap3A_288 = arith.index_cast %swap3A_287 : i32 to index
      %swap3A_289 = arith.constant 0 : index
      %swap3A_290 = tpu.vector_load %arg6[%swap3A_288, %swap3A_289] {strides = array<i32>} : memref<4x128xi32, #tpu.memory_space<vmem>>, vector<1x16xi32>,
      %swap3A_291 = vector.shape_cast %swap3A_290 : vector<1x16xi32> to vector<16xi32>
      %swap3A_292 = vector.shape_cast %and3A_286 : vector<16xi32> to vector<1x16xi32>
      tpu.vector_store %arg6[%swap3A_288, %swap3A_289], %swap3A_292 {strides = array<i32>} : memref<4x128xi32, #tpu.memory_space<vmem>>, vector<1x16xi32>,
      %get3A_293 = arith.index_cast %add3A_270 : i32 to index
      %get3A_294 = arith.constant 16 : index
      %get3A_295 = tpu.vector_load %arg5[%get3A_293, %get3A_294] {strides = array<i32>} : memref<80x128xi32, #tpu.memory_space<vmem>>, vector<1x16xi32>,
      %get3A_296 = vector.shape_cast %get3A_295 : vector<1x16xi32> to vector<16xi32>
      %shift_right_logical3A_297 = arith.constant 14 : i32
      %shift_right_logical3A_298 = vector.broadcast %shift_right_logical3A_297 : i32 to vector<16xi32>
      %shift_right_logical3A_299 = arith.shrui %get3A_296, %shift_right_logical3A_298 : vector<16xi32>
      %swap3A_300 = arith.constant 2 : i32
      %swap3A_301 = arith.index_cast %swap3A_300 : i32 to index
      %swap3A_302 = arith.constant 16 : index
      %swap3A_303 = tpu.vector_load %arg6[%swap3A_301, %swap3A_302] {strides = array<i32>} : memref<4x128xi32, #tpu.memory_space<vmem>>, vector<1x16xi32>,
      %swap3A_304 = vector.shape_cast %swap3A_303 : vector<1x16xi32> to vector<16xi32>
      %swap3A_305 = vector.shape_cast %shift_right_logical3A_299 : vector<16xi32> to vector<1x16xi32>
      tpu.vector_store %arg6[%swap3A_301, %swap3A_302], %swap3A_305 {strides = array<i32>} : memref<4x128xi32, #tpu.memory_space<vmem>>, vector<1x16xi32>,
      %and3A_306 = arith.constant 16383 : i32
      %and3A_307 = vector.broadcast %and3A_306 : i32 to vector<16xi32>
      %and3A_308 = arith.andi %get3A_296, %and3A_307 : vector<16xi32>
      %swap3A_309 = arith.constant 3 : i32
      %swap3A_310 = arith.index_cast %swap3A_309 : i32 to index
      %swap3A_311 = arith.constant 16 : index
      %swap3A_312 = tpu.vector_load %arg6[%swap3A_310, %swap3A_311] {strides = array<i32>} : memref<4x128xi32, #tpu.memory_space<vmem>>, vector<1x16xi32>,
      %swap3A_313 = vector.shape_cast %swap3A_312 : vector<1x16xi32> to vector<16xi32>
      %swap3A_314 = vector.shape_cast %and3A_308 : vector<16xi32> to vector<1x16xi32>
      tpu.vector_store %arg6[%swap3A_310, %swap3A_311], %swap3A_314 {strides = array<i32>} : memref<4x128xi32, #tpu.memory_space<vmem>>, vector<1x16xi32>,
      %get3A_315 = arith.index_cast %add3A_270 : i32 to index
      %get3A_316 = arith.constant 32 : index
      %get3A_317 = tpu.vector_load %arg5[%get3A_315, %get3A_316] {strides = array<i32>} : memref<80x128xi32, #tpu.memory_space<vmem>>, vector<1x16xi32>,
      %get3A_318 = vector.shape_cast %get3A_317 : vector<1x16xi32> to vector<16xi32>
      %shift_right_logical3A_319 = arith.constant 14 : i32
      %shift_right_logical3A_320 = vector.broadcast %shift_right_logical3A_319 : i32 to vector<16xi32>
      %shift_right_logical3A_321 = arith.shrui %get3A_318, %shift_right_logical3A_320 : vector<16xi32>
      %swap3A_322 = arith.constant 2 : i32
      %swap3A_323 = arith.index_cast %swap3A_322 : i32 to index
      %swap3A_324 = arith.constant 32 : index
      %swap3A_325 = tpu.vector_load %arg6[%swap3A_323, %swap3A_324] {strides = array<i32>} : memref<4x128xi32, #tpu.memory_space<vmem>>, vector<1x16xi32>,
      %swap3A_326 = vector.shape_cast %swap3A_325 : vector<1x16xi32> to vector<16xi32>
      %swap3A_327 = vector.shape_cast %shift_right_logical3A_321 : vector<16xi32> to vector<1x16xi32>
      tpu.vector_store %arg6[%swap3A_323, %swap3A_324], %swap3A_327 {strides = array<i32>} : memref<4x128xi32, #tpu.memory_space<vmem>>, vector<1x16xi32>,
      %and3A_328 = arith.constant 16383 : i32
      %and3A_329 = vector.broadcast %and3A_328 : i32 to vector<16xi32>
      %and3A_330 = arith.andi %get3A_318, %and3A_329 : vector<16xi32>
      %swap3A_331 = arith.constant 3 : i32
      %swap3A_332 = arith.index_cast %swap3A_331 : i32 to index
      %swap3A_333 = arith.constant 32 : index
      %swap3A_334 = tpu.vector_load %arg6[%swap3A_332, %swap3A_333] {strides = array<i32>} : memref<4x128xi32, #tpu.memory_space<vmem>>, vector<1x16xi32>,
      %swap3A_335 = vector.shape_cast %swap3A_334 : vector<1x16xi32> to vector<16xi32>
      %swap3A_336 = vector.shape_cast %and3A_330 : vector<16xi32> to vector<1x16xi32>
      tpu.vector_store %arg6[%swap3A_332, %swap3A_333], %swap3A_336 {strides = array<i32>} : memref<4x128xi32, #tpu.memory_space<vmem>>, vector<1x16xi32>,
      %get3A_337 = arith.index_cast %add3A_270 : i32 to index
      %get3A_338 = arith.constant 48 : index
      %get3A_339 = tpu.vector_load %arg5[%get3A_337, %get3A_338] {strides = array<i32>} : memref<80x128xi32, #tpu.memory_space<vmem>>, vector<1x16xi32>,
      %get3A_340 = vector.shape_cast %get3A_339 : vector<1x16xi32> to vector<16xi32>
      %shift_right_logical3A_341 = arith.constant 14 : i32
      %shift_right_logical3A_342 = vector.broadcast %shift_right_logical3A_341 : i32 to vector<16xi32>
      %shift_right_logical3A_343 = arith.shrui %get3A_340, %shift_right_logical3A_342 : vector<16xi32>
      %swap3A_344 = arith.constant 2 : i32
      %swap3A_345 = arith.index_cast %swap3A_344 : i32 to index
      %swap3A_346 = arith.constant 48 : index
      %swap3A_347 = tpu.vector_load %arg6[%swap3A_345, %swap3A_346] {strides = array<i32>} : memref<4x128xi32, #tpu.memory_space<vmem>>, vector<1x16xi32>,
      %swap3A_348 = vector.shape_cast %swap3A_347 : vector<1x16xi32> to vector<16xi32>
      %swap3A_349 = vector.shape_cast %shift_right_logical3A_343 : vector<16xi32> to vector<1x16xi32>
      tpu.vector_store %arg6[%swap3A_345, %swap3A_346], %swap3A_349 {strides = array<i32>} : memref<4x128xi32, #tpu.memory_space<vmem>>, vector<1x16xi32>,
      %and3A_350 = arith.constant 16383 : i32
      %and3A_351 = vector.broadcast %and3A_350 : i32 to vector<16xi32>
      %and3A_352 = arith.andi %get3A_340, %and3A_351 : vector<16xi32>
      %swap3A_353 = arith.constant 3 : i32
      %swap3A_354 = arith.index_cast %swap3A_353 : i32 to index
      %swap3A_355 = arith.constant 48 : index
      %swap3A_356 = tpu.vector_load %arg6[%swap3A_354, %swap3A_355] {strides = array<i32>} : memref<4x128xi32, #tpu.memory_space<vmem>>, vector<1x16xi32>,
      %swap3A_357 = vector.shape_cast %swap3A_356 : vector<1x16xi32> to vector<16xi32>
      %swap3A_358 = vector.shape_cast %and3A_352 : vector<16xi32> to vector<1x16xi32>
      tpu.vector_store %arg6[%swap3A_354, %swap3A_355], %swap3A_358 {strides = array<i32>} : memref<4x128xi32, #tpu.memory_space<vmem>>, vector<1x16xi32>,
      %get3A_359 = arith.index_cast %add3A_270 : i32 to index
      %get3A_360 = arith.constant 64 : index
      %get3A_361 = tpu.vector_load %arg5[%get3A_359, %get3A_360] {strides = array<i32>} : memref<80x128xi32, #tpu.memory_space<vmem>>, vector<1x16xi32>,
      %get3A_362 = vector.shape_cast %get3A_361 : vector<1x16xi32> to vector<16xi32>
      %shift_right_logical3A_363 = arith.constant 14 : i32
      %shift_right_logical3A_364 = vector.broadcast %shift_right_logical3A_363 : i32 to vector<16xi32>
      %shift_right_logical3A_365 = arith.shrui %get3A_362, %shift_right_logical3A_364 : vector<16xi32>
      %swap3A_366 = arith.constant 2 : i32
      %swap3A_367 = arith.index_cast %swap3A_366 : i32 to index
      %swap3A_368 = arith.constant 64 : index
      %swap3A_369 = tpu.vector_load %arg6[%swap3A_367, %swap3A_368] {strides = array<i32>} : memref<4x128xi32, #tpu.memory_space<vmem>>, vector<1x16xi32>,
      %swap3A_370 = vector.shape_cast %swap3A_369 : vector<1x16xi32> to vector<16xi32>
      %swap3A_371 = vector.shape_cast %shift_right_logical3A_365 : vector<16xi32> to vector<1x16xi32>
      tpu.vector_store %arg6[%swap3A_367, %swap3A_368], %swap3A_371 {strides = array<i32>} : memref<4x128xi32, #tpu.memory_space<vmem>>, vector<1x16xi32>,
      %and3A_372 = arith.constant 16383 : i32
      %and3A_373 = vector.broadcast %and3A_372 : i32 to vector<16xi32>
      %and3A_374 = arith.andi %get3A_362, %and3A_373 : vector<16xi32>
      %swap3A_375 = arith.constant 3 : i32
      %swap3A_376 = arith.index_cast %swap3A_375 : i32 to index
      %swap3A_377 = arith.constant 64 : index
      %swap3A_378 = tpu.vector_load %arg6[%swap3A_376, %swap3A_377] {strides = array<i32>} : memref<4x128xi32, #tpu.memory_space<vmem>>, vector<1x16xi32>,
      %swap3A_379 = vector.shape_cast %swap3A_378 : vector<1x16xi32> to vector<16xi32>
      %swap3A_380 = vector.shape_cast %and3A_374 : vector<16xi32> to vector<1x16xi32>
      tpu.vector_store %arg6[%swap3A_376, %swap3A_377], %swap3A_380 {strides = array<i32>} : memref<4x128xi32, #tpu.memory_space<vmem>>, vector<1x16xi32>,
      %get3A_381 = arith.index_cast %add3A_270 : i32 to index
      %get3A_382 = arith.constant 80 : index
      %get3A_383 = tpu.vector_load %arg5[%get3A_381, %get3A_382] {strides = array<i32>} : memref<80x128xi32, #tpu.memory_space<vmem>>, vector<1x16xi32>,
      %get3A_384 = vector.shape_cast %get3A_383 : vector<1x16xi32> to vector<16xi32>
      %shift_right_logical3A_385 = arith.constant 14 : i32
      %shift_right_logical3A_386 = vector.broadcast %shift_right_logical3A_385 : i32 to vector<16xi32>
      %shift_right_logical3A_387 = arith.shrui %get3A_384, %shift_right_logical3A_386 : vector<16xi32>
      %swap3A_388 = arith.constant 2 : i32
      %swap3A_389 = arith.index_cast %swap3A_388 : i32 to index
      %swap3A_390 = arith.constant 80 : index
      %swap3A_391 = tpu.vector_load %arg6[%swap3A_389, %swap3A_390] {strides = array<i32>} : memref<4x128xi32, #tpu.memory_space<vmem>>, vector<1x16xi32>,
      %swap3A_392 = vector.shape_cast %swap3A_391 : vector<1x16xi32> to vector<16xi32>
      %swap3A_393 = vector.shape_cast %shift_right_logical3A_387 : vector<16xi32> to vector<1x16xi32>
      tpu.vector_store %arg6[%swap3A_389, %swap3A_390], %swap3A_393 {strides = array<i32>} : memref<4x128xi32, #tpu.memory_space<vmem>>, vector<1x16xi32>,
      %and3A_394 = arith.constant 16383 : i32
      %and3A_395 = vector.broadcast %and3A_394 : i32 to vector<16xi32>
      %and3A_396 = arith.andi %get3A_384, %and3A_395 : vector<16xi32>
      %swap3A_397 = arith.constant 3 : i32
      %swap3A_398 = arith.index_cast %swap3A_397 : i32 to index
      %swap3A_399 = arith.constant 80 : index
      %swap3A_400 = tpu.vector_load %arg6[%swap3A_398, %swap3A_399] {strides = array<i32>} : memref<4x128xi32, #tpu.memory_space<vmem>>, vector<1x16xi32>,
      %swap3A_401 = vector.shape_cast %swap3A_400 : vector<1x16xi32> to vector<16xi32>
      %swap3A_402 = vector.shape_cast %and3A_396 : vector<16xi32> to vector<1x16xi32>
      tpu.vector_store %arg6[%swap3A_398, %swap3A_399], %swap3A_402 {strides = array<i32>} : memref<4x128xi32, #tpu.memory_space<vmem>>, vector<1x16xi32>,
      %get3A_403 = arith.index_cast %add3A_270 : i32 to index
      %get3A_404 = arith.constant 96 : index
      %get3A_405 = tpu.vector_load %arg5[%get3A_403, %get3A_404] {strides = array<i32>} : memref<80x128xi32, #tpu.memory_space<vmem>>, vector<1x16xi32>,
      %get3A_406 = vector.shape_cast %get3A_405 : vector<1x16xi32> to vector<16xi32>
      %shift_right_logical3A_407 = arith.constant 14 : i32
      %shift_right_logical3A_408 = vector.broadcast %shift_right_logical3A_407 : i32 to vector<16xi32>
      %shift_right_logical3A_409 = arith.shrui %get3A_406, %shift_right_logical3A_408 : vector<16xi32>
      %swap3A_410 = arith.constant 2 : i32
      %swap3A_411 = arith.index_cast %swap3A_410 : i32 to index
      %swap3A_412 = arith.constant 96 : index
      %swap3A_413 = tpu.vector_load %arg6[%swap3A_411, %swap3A_412] {strides = array<i32>} : memref<4x128xi32, #tpu.memory_space<vmem>>, vector<1x16xi32>,
      %swap3A_414 = vector.shape_cast %swap3A_413 : vector<1x16xi32> to vector<16xi32>
      %swap3A_415 = vector.shape_cast %shift_right_logical3A_409 : vector<16xi32> to vector<1x16xi32>
      tpu.vector_store %arg6[%swap3A_411, %swap3A_412], %swap3A_415 {strides = array<i32>} : memref<4x128xi32, #tpu.memory_space<vmem>>, vector<1x16xi32>,
      %and3A_416 = arith.constant 16383 : i32
      %and3A_417 = vector.broadcast %and3A_416 : i32 to vector<16xi32>
      %and3A_418 = arith.andi %get3A_406, %and3A_417 : vector<16xi32>
      %swap3A_419 = arith.constant 3 : i32
      %swap3A_420 = arith.index_cast %swap3A_419 : i32 to index
      %swap3A_421 = arith.constant 96 : index
      %swap3A_422 = tpu.vector_load %arg6[%swap3A_420, %swap3A_421] {strides = array<i32>} : memref<4x128xi32, #tpu.memory_space<vmem>>, vector<1x16xi32>,
      %swap3A_423 = vector.shape_cast %swap3A_422 : vector<1x16xi32> to vector<16xi32>
      %swap3A_424 = vector.shape_cast %and3A_418 : vector<16xi32> to vector<1x16xi32>
      tpu.vector_store %arg6[%swap3A_420, %swap3A_421], %swap3A_424 {strides = array<i32>} : memref<4x128xi32, #tpu.memory_space<vmem>>, vector<1x16xi32>,
      %get3A_425 = arith.index_cast %add3A_270 : i32 to index
      %get3A_426 = arith.constant 112 : index
      %get3A_427 = tpu.vector_load %arg5[%get3A_425, %get3A_426] {strides = array<i32>} : memref<80x128xi32, #tpu.memory_space<vmem>>, vector<1x16xi32>,
      %get3A_428 = vector.shape_cast %get3A_427 : vector<1x16xi32> to vector<16xi32>
      %shift_right_logical3A_429 = arith.constant 14 : i32
      %shift_right_logical3A_430 = vector.broadcast %shift_right_logical3A_429 : i32 to vector<16xi32>
      %shift_right_logical3A_431 = arith.shrui %get3A_428, %shift_right_logical3A_430 : vector<16xi32>
      %swap3A_432 = arith.constant 2 : i32
      %swap3A_433 = arith.index_cast %swap3A_432 : i32 to index
      %swap3A_434 = arith.constant 112 : index
      %swap3A_435 = tpu.vector_load %arg6[%swap3A_433, %swap3A_434] {strides = array<i32>} : memref<4x128xi32, #tpu.memory_space<vmem>>, vector<1x16xi32>,
      %swap3A_436 = vector.shape_cast %swap3A_435 : vector<1x16xi32> to vector<16xi32>
      %swap3A_437 = vector.shape_cast %shift_right_logical3A_431 : vector<16xi32> to vector<1x16xi32>
      tpu.vector_store %arg6[%swap3A_433, %swap3A_434], %swap3A_437 {strides = array<i32>} : memref<4x128xi32, #tpu.memory_space<vmem>>, vector<1x16xi32>,
      %and3A_438 = arith.constant 16383 : i32
      %and3A_439 = vector.broadcast %and3A_438 : i32 to vector<16xi32>
      %and3A_440 = arith.andi %get3A_428, %and3A_439 : vector<16xi32>
      %swap3A_441 = arith.constant 3 : i32
      %swap3A_442 = arith.index_cast %swap3A_441 : i32 to index
      %swap3A_443 = arith.constant 112 : index
      %swap3A_444 = tpu.vector_load %arg6[%swap3A_442, %swap3A_443] {strides = array<i32>} : memref<4x128xi32, #tpu.memory_space<vmem>>, vector<1x16xi32>,
      %swap3A_445 = vector.shape_cast %swap3A_444 : vector<1x16xi32> to vector<16xi32>
      %swap3A_446 = vector.shape_cast %and3A_440 : vector<16xi32> to vector<1x16xi32>
      tpu.vector_store %arg6[%swap3A_442, %swap3A_443], %swap3A_446 {strides = array<i32>} : memref<4x128xi32, #tpu.memory_space<vmem>>, vector<1x16xi32>,
      %dma_start3A_447 = arith.constant 2 : i32
      %dma_start3A_448 = arith.constant 0 : i32
      %dma_start3A_449 = tpu.memref_slice %arg6[%dma_start3A_447, %dma_start3A_448] : memref<4x128xi32, #tpu.memory_space<vmem>> -> memref<1x128xi32, #tpu.memory_space<vmem>>
      %dma_start3A_450 = tpu.memref_squeeze %dma_start3A_449 : memref<1x128xi32, #tpu.memory_space<vmem>> -> memref<128xi32, #tpu.memory_space<vmem>>
      %dma_start3A_451 = arith.constant 0 : i32
      %dma_start3A_452 = arith.constant 0 : i32
      %dma_start3A_453 = tpu.memref_slice %arg2[%dma_start3A_451, %dma_start3A_452] : memref<10000x128xf32, #tpu.memory_space<hbm>> -> memref<10000x128xf32, #tpu.memory_space<hbm>>
      tpu.enqueue_indirect_dma source(%dma_start3A_453 : memref<10000x128xf32, #tpu.memory_space<hbm>>) target(%arg8 : memref<128x128xf32, #tpu.memory_space<vmem>>) offsets(%dma_start3A_450 : memref<128xi32, #tpu.memory_space<vmem>>) semaphore(%arg11 : memref<!tpu.dma_semaphore, #tpu.memory_space<semaphore_mem>>)
      %dma_wait3A_454 = arith.constant 0 : i32
      %dma_wait3A_455 = arith.constant 0 : i32
      %dma_wait3A_456 = tpu.memref_slice %arg6[%dma_wait3A_454, %dma_wait3A_455] : memref<4x128xi32, #tpu.memory_space<vmem>> -> memref<1x128xi32, #tpu.memory_space<vmem>>
      %dma_wait3A_457 = tpu.memref_squeeze %dma_wait3A_456 : memref<1x128xi32, #tpu.memory_space<vmem>> -> memref<128xi32, #tpu.memory_space<vmem>>
      %dma_wait3A_458 = arith.constant 0 : i32
      %dma_wait3A_459 = arith.constant 0 : i32
      %dma_wait3A_460 = tpu.memref_slice %arg2[%dma_wait3A_458, %dma_wait3A_459] : memref<10000x128xf32, #tpu.memory_space<hbm>> -> memref<10000x128xf32, #tpu.memory_space<hbm>>
      tpu.wait_indirect_dma semaphore(%arg10 : memref<!tpu.dma_semaphore, #tpu.memory_space<semaphore_mem>>) src(%dma_wait3A_460 : memref<10000x128xf32, #tpu.memory_space<hbm>>) dst(%arg7 : memref<128x128xf32, #tpu.memory_space<vmem>>)
      %run_scoped3A = arith.constant 1 : i32
      "tpu.region"() ({
        %run_scoped3A_473 = tpu.sem_alloc : memref<!tpu.dma_semaphore, #tpu.memory_space<semaphore_mem>>
        %dma_start3A_474 = arith.constant 0 : i32
        %dma_start3A_475 = tpu.memref_slice %arg6[%run_scoped3A, %dma_start3A_474] : memref<4x128xi32, #tpu.memory_space<vmem>> -> memref<1x128xi32, #tpu.memory_space<vmem>>
        %dma_start3A_476 = tpu.memref_squeeze %dma_start3A_475 : memref<1x128xi32, #tpu.memory_space<vmem>> -> memref<128xi32, #tpu.memory_space<vmem>>
        %dma_start3A_477 = arith.constant 0 : i32
        %dma_start3A_478 = arith.constant 0 : i32
        %dma_start3A_479 = tpu.memref_slice %arg9[%dma_start3A_477, %dma_start3A_478] : memref<10240x128xf32, #tpu.memory_space<vmem_shared>> -> memref<10240x128xf32, #tpu.memory_space<vmem_shared>>
        tpu.enqueue_indirect_dma source(%arg7 : memref<128x128xf32, #tpu.memory_space<vmem>>) target(%dma_start3A_479 : memref<10240x128xf32, #tpu.memory_space<vmem_shared>>) offsets(%dma_start3A_476 : memref<128xi32, #tpu.memory_space<vmem>>) semaphore(%run_scoped3A_473 : memref<!tpu.dma_semaphore, #tpu.memory_space<semaphore_mem>>)
        %dma_wait3A_480 = arith.constant 0 : i32
        %dma_wait3A_481 = tpu.memref_slice %arg6[%run_scoped3A, %dma_wait3A_480] : memref<4x128xi32, #tpu.memory_space<vmem>> -> memref<1x128xi32, #tpu.memory_space<vmem>>
        %dma_wait3A_482 = tpu.memref_squeeze %dma_wait3A_481 : memref<1x128xi32, #tpu.memory_space<vmem>> -> memref<128xi32, #tpu.memory_space<vmem>>
        %dma_wait3A_483 = arith.constant 0 : i32
        %dma_wait3A_484 = arith.constant 0 : i32
        %dma_wait3A_485 = tpu.memref_slice %arg9[%dma_wait3A_483, %dma_wait3A_484] : memref<10240x128xf32, #tpu.memory_space<vmem_shared>> -> memref<10240x128xf32, #tpu.memory_space<vmem_shared>>
        tpu.wait_indirect_dma semaphore(%run_scoped3A_473 : memref<!tpu.dma_semaphore, #tpu.memory_space<semaphore_mem>>) src(%arg7 : memref<128x128xf32, #tpu.memory_space<vmem>>) dst(%dma_wait3A_485 : memref<10240x128xf32, #tpu.memory_space<vmem_shared>>)
        tpu.yield
      }) : () -> ()
      %add3A_461 = arith.constant 2 : i32
      %add3A_462 = arith.addi %add3A_268, %add3A_461 : i32
      %lt3A = arith.constant 80 : i32
      %lt3A_463 = arith.cmpi slt, %add3A_462, %lt3A : i32
      %convert_element_type3A = arith.extui %lt3A_463 : i1 to i32
      %cond3A = arith.constant 0 : i32
      %cond3A_464 = arith.cmpi ne, %convert_element_type3A, %cond3A : i32
      scf.if %cond3A_464 {
        %add3A_473 = arith.constant 2 : i32
        %add3A_474 = arith.addi %add3A_268, %add3A_473 : i32
        %get3A_475 = arith.index_cast %add3A_474 : i32 to index
        %get3A_476 = arith.constant 0 : index
        %get3A_477 = tpu.vector_load %arg5[%get3A_475, %get3A_476] {strides = array<i32>} : memref<80x128xi32, #tpu.memory_space<vmem>>, vector<1x16xi32>,
        %get3A_478 = vector.shape_cast %get3A_477 : vector<1x16xi32> to vector<16xi32>
        %shift_right_logical3A_479 = arith.constant 14 : i32
        %shift_right_logical3A_480 = vector.broadcast %shift_right_logical3A_479 : i32 to vector<16xi32>
        %shift_right_logical3A_481 = arith.shrui %get3A_478, %shift_right_logical3A_480 : vector<16xi32>
        %swap3A_482 = arith.constant 0 : i32
        %swap3A_483 = arith.index_cast %swap3A_482 : i32 to index
        %swap3A_484 = arith.constant 0 : index
        %swap3A_485 = tpu.vector_load %arg6[%swap3A_483, %swap3A_484] {strides = array<i32>} : memref<4x128xi32, #tpu.memory_space<vmem>>, vector<1x16xi32>,
        %swap3A_486 = vector.shape_cast %swap3A_485 : vector<1x16xi32> to vector<16xi32>
        %swap3A_487 = vector.shape_cast %shift_right_logical3A_481 : vector<16xi32> to vector<1x16xi32>
        tpu.vector_store %arg6[%swap3A_483, %swap3A_484], %swap3A_487 {strides = array<i32>} : memref<4x128xi32, #tpu.memory_space<vmem>>, vector<1x16xi32>,
        %and3A_488 = arith.constant 16383 : i32
        %and3A_489 = vector.broadcast %and3A_488 : i32 to vector<16xi32>
        %and3A_490 = arith.andi %get3A_478, %and3A_489 : vector<16xi32>
        %swap3A_491 = arith.constant 1 : i32
        %swap3A_492 = arith.index_cast %swap3A_491 : i32 to index
        %swap3A_493 = arith.constant 0 : index
        %swap3A_494 = tpu.vector_load %arg6[%swap3A_492, %swap3A_493] {strides = array<i32>} : memref<4x128xi32, #tpu.memory_space<vmem>>, vector<1x16xi32>,
        %swap3A_495 = vector.shape_cast %swap3A_494 : vector<1x16xi32> to vector<16xi32>
        %swap3A_496 = vector.shape_cast %and3A_490 : vector<16xi32> to vector<1x16xi32>
        tpu.vector_store %arg6[%swap3A_492, %swap3A_493], %swap3A_496 {strides = array<i32>} : memref<4x128xi32, #tpu.memory_space<vmem>>, vector<1x16xi32>,
        %get3A_497 = arith.index_cast %add3A_474 : i32 to index
        %get3A_498 = arith.constant 16 : index
        %get3A_499 = tpu.vector_load %arg5[%get3A_497, %get3A_498] {strides = array<i32>} : memref<80x128xi32, #tpu.memory_space<vmem>>, vector<1x16xi32>,
        %get3A_500 = vector.shape_cast %get3A_499 : vector<1x16xi32> to vector<16xi32>
        %shift_right_logical3A_501 = arith.constant 14 : i32
        %shift_right_logical3A_502 = vector.broadcast %shift_right_logical3A_501 : i32 to vector<16xi32>
        %shift_right_logical3A_503 = arith.shrui %get3A_500, %shift_right_logical3A_502 : vector<16xi32>
        %swap3A_504 = arith.constant 0 : i32
        %swap3A_505 = arith.index_cast %swap3A_504 : i32 to index
        %swap3A_506 = arith.constant 16 : index
        %swap3A_507 = tpu.vector_load %arg6[%swap3A_505, %swap3A_506] {strides = array<i32>} : memref<4x128xi32, #tpu.memory_space<vmem>>, vector<1x16xi32>,
        %swap3A_508 = vector.shape_cast %swap3A_507 : vector<1x16xi32> to vector<16xi32>
        %swap3A_509 = vector.shape_cast %shift_right_logical3A_503 : vector<16xi32> to vector<1x16xi32>
        tpu.vector_store %arg6[%swap3A_505, %swap3A_506], %swap3A_509 {strides = array<i32>} : memref<4x128xi32, #tpu.memory_space<vmem>>, vector<1x16xi32>,
        %and3A_510 = arith.constant 16383 : i32
        %and3A_511 = vector.broadcast %and3A_510 : i32 to vector<16xi32>
        %and3A_512 = arith.andi %get3A_500, %and3A_511 : vector<16xi32>
        %swap3A_513 = arith.constant 1 : i32
        %swap3A_514 = arith.index_cast %swap3A_513 : i32 to index
        %swap3A_515 = arith.constant 16 : index
        %swap3A_516 = tpu.vector_load %arg6[%swap3A_514, %swap3A_515] {strides = array<i32>} : memref<4x128xi32, #tpu.memory_space<vmem>>, vector<1x16xi32>,
        %swap3A_517 = vector.shape_cast %swap3A_516 : vector<1x16xi32> to vector<16xi32>
        %swap3A_518 = vector.shape_cast %and3A_512 : vector<16xi32> to vector<1x16xi32>
        tpu.vector_store %arg6[%swap3A_514, %swap3A_515], %swap3A_518 {strides = array<i32>} : memref<4x128xi32, #tpu.memory_space<vmem>>, vector<1x16xi32>,
        %get3A_519 = arith.index_cast %add3A_474 : i32 to index
        %get3A_520 = arith.constant 32 : index
        %get3A_521 = tpu.vector_load %arg5[%get3A_519, %get3A_520] {strides = array<i32>} : memref<80x128xi32, #tpu.memory_space<vmem>>, vector<1x16xi32>,
        %get3A_522 = vector.shape_cast %get3A_521 : vector<1x16xi32> to vector<16xi32>
        %shift_right_logical3A_523 = arith.constant 14 : i32
        %shift_right_logical3A_524 = vector.broadcast %shift_right_logical3A_523 : i32 to vector<16xi32>
        %shift_right_logical3A_525 = arith.shrui %get3A_522, %shift_right_logical3A_524 : vector<16xi32>
        %swap3A_526 = arith.constant 0 : i32
        %swap3A_527 = arith.index_cast %swap3A_526 : i32 to index
        %swap3A_528 = arith.constant 32 : index
        %swap3A_529 = tpu.vector_load %arg6[%swap3A_527, %swap3A_528] {strides = array<i32>} : memref<4x128xi32, #tpu.memory_space<vmem>>, vector<1x16xi32>,
        %swap3A_530 = vector.shape_cast %swap3A_529 : vector<1x16xi32> to vector<16xi32>
        %swap3A_531 = vector.shape_cast %shift_right_logical3A_525 : vector<16xi32> to vector<1x16xi32>
        tpu.vector_store %arg6[%swap3A_527, %swap3A_528], %swap3A_531 {strides = array<i32>} : memref<4x128xi32, #tpu.memory_space<vmem>>, vector<1x16xi32>,
        %and3A_532 = arith.constant 16383 : i32
        %and3A_533 = vector.broadcast %and3A_532 : i32 to vector<16xi32>
        %and3A_534 = arith.andi %get3A_522, %and3A_533 : vector<16xi32>
        %swap3A_535 = arith.constant 1 : i32
        %swap3A_536 = arith.index_cast %swap3A_535 : i32 to index
        %swap3A_537 = arith.constant 32 : index
        %swap3A_538 = tpu.vector_load %arg6[%swap3A_536, %swap3A_537] {strides = array<i32>} : memref<4x128xi32, #tpu.memory_space<vmem>>, vector<1x16xi32>,
        %swap3A_539 = vector.shape_cast %swap3A_538 : vector<1x16xi32> to vector<16xi32>
        %swap3A_540 = vector.shape_cast %and3A_534 : vector<16xi32> to vector<1x16xi32>
        tpu.vector_store %arg6[%swap3A_536, %swap3A_537], %swap3A_540 {strides = array<i32>} : memref<4x128xi32, #tpu.memory_space<vmem>>, vector<1x16xi32>,
        %get3A_541 = arith.index_cast %add3A_474 : i32 to index
        %get3A_542 = arith.constant 48 : index
        %get3A_543 = tpu.vector_load %arg5[%get3A_541, %get3A_542] {strides = array<i32>} : memref<80x128xi32, #tpu.memory_space<vmem>>, vector<1x16xi32>,
        %get3A_544 = vector.shape_cast %get3A_543 : vector<1x16xi32> to vector<16xi32>
        %shift_right_logical3A_545 = arith.constant 14 : i32
        %shift_right_logical3A_546 = vector.broadcast %shift_right_logical3A_545 : i32 to vector<16xi32>
        %shift_right_logical3A_547 = arith.shrui %get3A_544, %shift_right_logical3A_546 : vector<16xi32>
        %swap3A_548 = arith.constant 0 : i32
        %swap3A_549 = arith.index_cast %swap3A_548 : i32 to index
        %swap3A_550 = arith.constant 48 : index
        %swap3A_551 = tpu.vector_load %arg6[%swap3A_549, %swap3A_550] {strides = array<i32>} : memref<4x128xi32, #tpu.memory_space<vmem>>, vector<1x16xi32>,
        %swap3A_552 = vector.shape_cast %swap3A_551 : vector<1x16xi32> to vector<16xi32>
        %swap3A_553 = vector.shape_cast %shift_right_logical3A_547 : vector<16xi32> to vector<1x16xi32>
        tpu.vector_store %arg6[%swap3A_549, %swap3A_550], %swap3A_553 {strides = array<i32>} : memref<4x128xi32, #tpu.memory_space<vmem>>, vector<1x16xi32>,
        %and3A_554 = arith.constant 16383 : i32
        %and3A_555 = vector.broadcast %and3A_554 : i32 to vector<16xi32>
        %and3A_556 = arith.andi %get3A_544, %and3A_555 : vector<16xi32>
        %swap3A_557 = arith.constant 1 : i32
        %swap3A_558 = arith.index_cast %swap3A_557 : i32 to index
        %swap3A_559 = arith.constant 48 : index
        %swap3A_560 = tpu.vector_load %arg6[%swap3A_558, %swap3A_559] {strides = array<i32>} : memref<4x128xi32, #tpu.memory_space<vmem>>, vector<1x16xi32>,
        %swap3A_561 = vector.shape_cast %swap3A_560 : vector<1x16xi32> to vector<16xi32>
        %swap3A_562 = vector.shape_cast %and3A_556 : vector<16xi32> to vector<1x16xi32>
        tpu.vector_store %arg6[%swap3A_558, %swap3A_559], %swap3A_562 {strides = array<i32>} : memref<4x128xi32, #tpu.memory_space<vmem>>, vector<1x16xi32>,
        %get3A_563 = arith.index_cast %add3A_474 : i32 to index
        %get3A_564 = arith.constant 64 : index
        %get3A_565 = tpu.vector_load %arg5[%get3A_563, %get3A_564] {strides = array<i32>} : memref<80x128xi32, #tpu.memory_space<vmem>>, vector<1x16xi32>,
        %get3A_566 = vector.shape_cast %get3A_565 : vector<1x16xi32> to vector<16xi32>
        %shift_right_logical3A_567 = arith.constant 14 : i32
        %shift_right_logical3A_568 = vector.broadcast %shift_right_logical3A_567 : i32 to vector<16xi32>
        %shift_right_logical3A_569 = arith.shrui %get3A_566, %shift_right_logical3A_568 : vector<16xi32>
        %swap3A_570 = arith.constant 0 : i32
        %swap3A_571 = arith.index_cast %swap3A_570 : i32 to index
        %swap3A_572 = arith.constant 64 : index
        %swap3A_573 = tpu.vector_load %arg6[%swap3A_571, %swap3A_572] {strides = array<i32>} : memref<4x128xi32, #tpu.memory_space<vmem>>, vector<1x16xi32>,
        %swap3A_574 = vector.shape_cast %swap3A_573 : vector<1x16xi32> to vector<16xi32>
        %swap3A_575 = vector.shape_cast %shift_right_logical3A_569 : vector<16xi32> to vector<1x16xi32>
        tpu.vector_store %arg6[%swap3A_571, %swap3A_572], %swap3A_575 {strides = array<i32>} : memref<4x128xi32, #tpu.memory_space<vmem>>, vector<1x16xi32>,
        %and3A_576 = arith.constant 16383 : i32
        %and3A_577 = vector.broadcast %and3A_576 : i32 to vector<16xi32>
        %and3A_578 = arith.andi %get3A_566, %and3A_577 : vector<16xi32>
        %swap3A_579 = arith.constant 1 : i32
        %swap3A_580 = arith.index_cast %swap3A_579 : i32 to index
        %swap3A_581 = arith.constant 64 : index
        %swap3A_582 = tpu.vector_load %arg6[%swap3A_580, %swap3A_581] {strides = array<i32>} : memref<4x128xi32, #tpu.memory_space<vmem>>, vector<1x16xi32>,
        %swap3A_583 = vector.shape_cast %swap3A_582 : vector<1x16xi32> to vector<16xi32>
        %swap3A_584 = vector.shape_cast %and3A_578 : vector<16xi32> to vector<1x16xi32>
        tpu.vector_store %arg6[%swap3A_580, %swap3A_581], %swap3A_584 {strides = array<i32>} : memref<4x128xi32, #tpu.memory_space<vmem>>, vector<1x16xi32>,
        %get3A_585 = arith.index_cast %add3A_474 : i32 to index
        %get3A_586 = arith.constant 80 : index
        %get3A_587 = tpu.vector_load %arg5[%get3A_585, %get3A_586] {strides = array<i32>} : memref<80x128xi32, #tpu.memory_space<vmem>>, vector<1x16xi32>,
        %get3A_588 = vector.shape_cast %get3A_587 : vector<1x16xi32> to vector<16xi32>
        %shift_right_logical3A_589 = arith.constant 14 : i32
        %shift_right_logical3A_590 = vector.broadcast %shift_right_logical3A_589 : i32 to vector<16xi32>
        %shift_right_logical3A_591 = arith.shrui %get3A_588, %shift_right_logical3A_590 : vector<16xi32>
        %swap3A_592 = arith.constant 0 : i32
        %swap3A_593 = arith.index_cast %swap3A_592 : i32 to index
        %swap3A_594 = arith.constant 80 : index
        %swap3A_595 = tpu.vector_load %arg6[%swap3A_593, %swap3A_594] {strides = array<i32>} : memref<4x128xi32, #tpu.memory_space<vmem>>, vector<1x16xi32>,
        %swap3A_596 = vector.shape_cast %swap3A_595 : vector<1x16xi32> to vector<16xi32>
        %swap3A_597 = vector.shape_cast %shift_right_logical3A_591 : vector<16xi32> to vector<1x16xi32>
        tpu.vector_store %arg6[%swap3A_593, %swap3A_594], %swap3A_597 {strides = array<i32>} : memref<4x128xi32, #tpu.memory_space<vmem>>, vector<1x16xi32>,
        %and3A_598 = arith.constant 16383 : i32
        %and3A_599 = vector.broadcast %and3A_598 : i32 to vector<16xi32>
        %and3A_600 = arith.andi %get3A_588, %and3A_599 : vector<16xi32>
        %swap3A_601 = arith.constant 1 : i32
        %swap3A_602 = arith.index_cast %swap3A_601 : i32 to index
        %swap3A_603 = arith.constant 80 : index
        %swap3A_604 = tpu.vector_load %arg6[%swap3A_602, %swap3A_603] {strides = array<i32>} : memref<4x128xi32, #tpu.memory_space<vmem>>, vector<1x16xi32>,
        %swap3A_605 = vector.shape_cast %swap3A_604 : vector<1x16xi32> to vector<16xi32>
        %swap3A_606 = vector.shape_cast %and3A_600 : vector<16xi32> to vector<1x16xi32>
        tpu.vector_store %arg6[%swap3A_602, %swap3A_603], %swap3A_606 {strides = array<i32>} : memref<4x128xi32, #tpu.memory_space<vmem>>, vector<1x16xi32>,
        %get3A_607 = arith.index_cast %add3A_474 : i32 to index
        %get3A_608 = arith.constant 96 : index
        %get3A_609 = tpu.vector_load %arg5[%get3A_607, %get3A_608] {strides = array<i32>} : memref<80x128xi32, #tpu.memory_space<vmem>>, vector<1x16xi32>,
        %get3A_610 = vector.shape_cast %get3A_609 : vector<1x16xi32> to vector<16xi32>
        %shift_right_logical3A_611 = arith.constant 14 : i32
        %shift_right_logical3A_612 = vector.broadcast %shift_right_logical3A_611 : i32 to vector<16xi32>
        %shift_right_logical3A_613 = arith.shrui %get3A_610, %shift_right_logical3A_612 : vector<16xi32>
        %swap3A_614 = arith.constant 0 : i32
        %swap3A_615 = arith.index_cast %swap3A_614 : i32 to index
        %swap3A_616 = arith.constant 96 : index
        %swap3A_617 = tpu.vector_load %arg6[%swap3A_615, %swap3A_616] {strides = array<i32>} : memref<4x128xi32, #tpu.memory_space<vmem>>, vector<1x16xi32>,
        %swap3A_618 = vector.shape_cast %swap3A_617 : vector<1x16xi32> to vector<16xi32>
        %swap3A_619 = vector.shape_cast %shift_right_logical3A_613 : vector<16xi32> to vector<1x16xi32>
        tpu.vector_store %arg6[%swap3A_615, %swap3A_616], %swap3A_619 {strides = array<i32>} : memref<4x128xi32, #tpu.memory_space<vmem>>, vector<1x16xi32>,
        %and3A_620 = arith.constant 16383 : i32
        %and3A_621 = vector.broadcast %and3A_620 : i32 to vector<16xi32>
        %and3A_622 = arith.andi %get3A_610, %and3A_621 : vector<16xi32>
        %swap3A_623 = arith.constant 1 : i32
        %swap3A_624 = arith.index_cast %swap3A_623 : i32 to index
        %swap3A_625 = arith.constant 96 : index
        %swap3A_626 = tpu.vector_load %arg6[%swap3A_624, %swap3A_625] {strides = array<i32>} : memref<4x128xi32, #tpu.memory_space<vmem>>, vector<1x16xi32>,
        %swap3A_627 = vector.shape_cast %swap3A_626 : vector<1x16xi32> to vector<16xi32>
        %swap3A_628 = vector.shape_cast %and3A_622 : vector<16xi32> to vector<1x16xi32>
        tpu.vector_store %arg6[%swap3A_624, %swap3A_625], %swap3A_628 {strides = array<i32>} : memref<4x128xi32, #tpu.memory_space<vmem>>, vector<1x16xi32>,
        %get3A_629 = arith.index_cast %add3A_474 : i32 to index
        %get3A_630 = arith.constant 112 : index
        %get3A_631 = tpu.vector_load %arg5[%get3A_629, %get3A_630] {strides = array<i32>} : memref<80x128xi32, #tpu.memory_space<vmem>>, vector<1x16xi32>,
        %get3A_632 = vector.shape_cast %get3A_631 : vector<1x16xi32> to vector<16xi32>
        %shift_right_logical3A_633 = arith.constant 14 : i32
        %shift_right_logical3A_634 = vector.broadcast %shift_right_logical3A_633 : i32 to vector<16xi32>
        %shift_right_logical3A_635 = arith.shrui %get3A_632, %shift_right_logical3A_634 : vector<16xi32>
        %swap3A_636 = arith.constant 0 : i32
        %swap3A_637 = arith.index_cast %swap3A_636 : i32 to index
        %swap3A_638 = arith.constant 112 : index
        %swap3A_639 = tpu.vector_load %arg6[%swap3A_637, %swap3A_638] {strides = array<i32>} : memref<4x128xi32, #tpu.memory_space<vmem>>, vector<1x16xi32>,
        %swap3A_640 = vector.shape_cast %swap3A_639 : vector<1x16xi32> to vector<16xi32>
        %swap3A_641 = vector.shape_cast %shift_right_logical3A_635 : vector<16xi32> to vector<1x16xi32>
        tpu.vector_store %arg6[%swap3A_637, %swap3A_638], %swap3A_641 {strides = array<i32>} : memref<4x128xi32, #tpu.memory_space<vmem>>, vector<1x16xi32>,
        %and3A_642 = arith.constant 16383 : i32
        %and3A_643 = vector.broadcast %and3A_642 : i32 to vector<16xi32>
        %and3A_644 = arith.andi %get3A_632, %and3A_643 : vector<16xi32>
        %swap3A_645 = arith.constant 1 : i32
        %swap3A_646 = arith.index_cast %swap3A_645 : i32 to index
        %swap3A_647 = arith.constant 112 : index
        %swap3A_648 = tpu.vector_load %arg6[%swap3A_646, %swap3A_647] {strides = array<i32>} : memref<4x128xi32, #tpu.memory_space<vmem>>, vector<1x16xi32>,
        %swap3A_649 = vector.shape_cast %swap3A_648 : vector<1x16xi32> to vector<16xi32>
        %swap3A_650 = vector.shape_cast %and3A_644 : vector<16xi32> to vector<1x16xi32>
        tpu.vector_store %arg6[%swap3A_646, %swap3A_647], %swap3A_650 {strides = array<i32>} : memref<4x128xi32, #tpu.memory_space<vmem>>, vector<1x16xi32>,
        %dma_start3A_651 = arith.constant 0 : i32
        %dma_start3A_652 = arith.constant 0 : i32
        %dma_start3A_653 = tpu.memref_slice %arg6[%dma_start3A_651, %dma_start3A_652] : memref<4x128xi32, #tpu.memory_space<vmem>> -> memref<1x128xi32, #tpu.memory_space<vmem>>
        %dma_start3A_654 = tpu.memref_squeeze %dma_start3A_653 : memref<1x128xi32, #tpu.memory_space<vmem>> -> memref<128xi32, #tpu.memory_space<vmem>>
        %dma_start3A_655 = arith.constant 0 : i32
        %dma_start3A_656 = arith.constant 0 : i32
        %dma_start3A_657 = tpu.memref_slice %arg2[%dma_start3A_655, %dma_start3A_656] : memref<10000x128xf32, #tpu.memory_space<hbm>> -> memref<10000x128xf32, #tpu.memory_space<hbm>>
        tpu.enqueue_indirect_dma source(%dma_start3A_657 : memref<10000x128xf32, #tpu.memory_space<hbm>>) target(%arg7 : memref<128x128xf32, #tpu.memory_space<vmem>>) offsets(%dma_start3A_654 : memref<128xi32, #tpu.memory_space<vmem>>) semaphore(%arg10 : memref<!tpu.dma_semaphore, #tpu.memory_space<semaphore_mem>>)
      } else {
      }
      %dma_wait3A_465 = arith.constant 2 : i32
      %dma_wait3A_466 = arith.constant 0 : i32
      %dma_wait3A_467 = tpu.memref_slice %arg6[%dma_wait3A_465, %dma_wait3A_466] : memref<4x128xi32, #tpu.memory_space<vmem>> -> memref<1x128xi32, #tpu.memory_space<vmem>>
      %dma_wait3A_468 = tpu.memref_squeeze %dma_wait3A_467 : memref<1x128xi32, #tpu.memory_space<vmem>> -> memref<128xi32, #tpu.memory_space<vmem>>
      %dma_wait3A_469 = arith.constant 0 : i32
      %dma_wait3A_470 = arith.constant 0 : i32
      %dma_wait3A_471 = tpu.memref_slice %arg2[%dma_wait3A_469, %dma_wait3A_470] : memref<10000x128xf32, #tpu.memory_space<hbm>> -> memref<10000x128xf32, #tpu.memory_space<hbm>>
      tpu.wait_indirect_dma semaphore(%arg11 : memref<!tpu.dma_semaphore, #tpu.memory_space<semaphore_mem>>) src(%dma_wait3A_471 : memref<10000x128xf32, #tpu.memory_space<hbm>>) dst(%arg8 : memref<128x128xf32, #tpu.memory_space<vmem>>)
      %run_scoped3A_472 = arith.constant 3 : i32
      "tpu.region"() ({
        %run_scoped3A_473 = tpu.sem_alloc : memref<!tpu.dma_semaphore, #tpu.memory_space<semaphore_mem>>
        %dma_start3A_474 = arith.constant 0 : i32
        %dma_start3A_475 = tpu.memref_slice %arg6[%run_scoped3A_472, %dma_start3A_474] : memref<4x128xi32, #tpu.memory_space<vmem>> -> memref<1x128xi32, #tpu.memory_space<vmem>>
        %dma_start3A_476 = tpu.memref_squeeze %dma_start3A_475 : memref<1x128xi32, #tpu.memory_space<vmem>> -> memref<128xi32, #tpu.memory_space<vmem>>
        %dma_start3A_477 = arith.constant 0 : i32
        %dma_start3A_478 = arith.constant 0 : i32
        %dma_start3A_479 = tpu.memref_slice %arg9[%dma_start3A_477, %dma_start3A_478] : memref<10240x128xf32, #tpu.memory_space<vmem_shared>> -> memref<10240x128xf32, #tpu.memory_space<vmem_shared>>
        tpu.enqueue_indirect_dma source(%arg8 : memref<128x128xf32, #tpu.memory_space<vmem>>) target(%dma_start3A_479 : memref<10240x128xf32, #tpu.memory_space<vmem_shared>>) offsets(%dma_start3A_476 : memref<128xi32, #tpu.memory_space<vmem>>) semaphore(%run_scoped3A_473 : memref<!tpu.dma_semaphore, #tpu.memory_space<semaphore_mem>>)
        %dma_wait3A_480 = arith.constant 0 : i32
        %dma_wait3A_481 = tpu.memref_slice %arg6[%run_scoped3A_472, %dma_wait3A_480] : memref<4x128xi32, #tpu.memory_space<vmem>> -> memref<1x128xi32, #tpu.memory_space<vmem>>
        %dma_wait3A_482 = tpu.memref_squeeze %dma_wait3A_481 : memref<1x128xi32, #tpu.memory_space<vmem>> -> memref<128xi32, #tpu.memory_space<vmem>>
        %dma_wait3A_483 = arith.constant 0 : i32
        %dma_wait3A_484 = arith.constant 0 : i32
        %dma_wait3A_485 = tpu.memref_slice %arg9[%dma_wait3A_483, %dma_wait3A_484] : memref<10240x128xf32, #tpu.memory_space<vmem_shared>> -> memref<10240x128xf32, #tpu.memory_space<vmem_shared>>
        tpu.wait_indirect_dma semaphore(%run_scoped3A_473 : memref<!tpu.dma_semaphore, #tpu.memory_space<semaphore_mem>>) src(%arg8 : memref<128x128xf32, #tpu.memory_space<vmem>>) dst(%dma_wait3A_485 : memref<10240x128xf32, #tpu.memory_space<vmem_shared>>)
        tpu.yield
      }) : () -> ()
    }
    %scan3A_262 = arith.constant 40 : i32
    %barrier3A_263 = arith.constant 0 : index
    tpu.barrier barrier_id(%barrier3A_263)
    "tpu.region"() ({
      %run_scoped3A = tpu.sem_alloc : memref<!tpu.dma_semaphore, #tpu.memory_space<semaphore_mem>>
      %dma_start3A_264 = arith.constant 0 : i32
      %dma_start3A_265 = tpu.memref_slice %arg4[%arg0, %mul3A_13, %dma_start3A_264] : memref<2x10240x128xf32, #tpu.memory_space<hbm>> -> memref<1x640x128xf32, #tpu.memory_space<hbm>>
      %dma_start3A_266 = tpu.memref_squeeze %dma_start3A_265 : memref<1x640x128xf32, #tpu.memory_space<hbm>> -> memref<640x128xf32, #tpu.memory_space<hbm>>
      %dma_start3A_267 = arith.constant 0 : i32
      %dma_start3A_268 = tpu.memref_slice %arg9[%mul3A_13, %dma_start3A_267] : memref<10240x128xf32, #tpu.memory_space<vmem_shared>> -> memref<640x128xf32, #tpu.memory_space<vmem_shared>>
      tpu.enqueue_dma source(%dma_start3A_268 : memref<640x128xf32, #tpu.memory_space<vmem_shared>>) target(%dma_start3A_266 : memref<640x128xf32, #tpu.memory_space<hbm>>) target_semaphore(%run_scoped3A : memref<!tpu.dma_semaphore, #tpu.memory_space<semaphore_mem>>)
      %dma_wait3A_269 = arith.constant 0 : i32
      %dma_wait3A_270 = tpu.memref_slice %arg4[%arg0, %mul3A_13, %dma_wait3A_269] : memref<2x10240x128xf32, #tpu.memory_space<hbm>> -> memref<1x640x128xf32, #tpu.memory_space<hbm>>
      %dma_wait3A_271 = tpu.memref_squeeze %dma_wait3A_270 : memref<1x640x128xf32, #tpu.memory_space<hbm>> -> memref<640x128xf32, #tpu.memory_space<hbm>>
      %dma_wait3A_272 = arith.constant 0 : i32
      %dma_wait3A_273 = tpu.memref_slice %arg9[%mul3A_13, %dma_wait3A_272] : memref<10240x128xf32, #tpu.memory_space<vmem_shared>> -> memref<640x128xf32, #tpu.memory_space<vmem_shared>>
      tpu.wait_dma2 semaphore(%run_scoped3A : memref<!tpu.dma_semaphore, #tpu.memory_space<semaphore_mem>>) src(%dma_wait3A_273 : memref<640x128xf32, #tpu.memory_space<vmem_shared>>) dst(%dma_wait3A_271 : memref<640x128xf32, #tpu.memory_space<hbm>>)
      tpu.yield
    }) : () -> ()
    return
  }
}

module attributes {stable_mosaic.version = 14 : i64} {
  func.func @_tc_pack_body(%arg0: memref<2x320000xi32, #tpu.memory_space<vmem>>, %arg1: memref<32x80x128xi32, #tpu.memory_space<vmem>>) attributes {dimension_semantics = [], scalar_prefetch = 0 : i64, scratch_operands = 0 : i64, tpu.core_type = #tpu.core_type<tc>} {
    %get3A = arith.constant 0 : index
    %get3A_0 = arith.constant 0 : index
    %get3A_1 = vector.load %arg0[%get3A, %get3A_0] : memref<2x320000xi32, #tpu.memory_space<vmem>>, vector<1x320000xi32>
    %get3A_2 = vector.shape_cast %get3A_1 : vector<1x320000xi32> to vector<320000xi32>
    %shift_left3A = arith.constant 14 : i32
    %shift_left3A_3 = vector.broadcast %shift_left3A : i32 to vector<320000xi32>
    %shift_left3A_4 = arith.shli %get3A_2, %shift_left3A_3 : vector<320000xi32>
    %get3A_5 = arith.constant 1 : index
    %get3A_6 = arith.constant 0 : index
    %get3A_7 = vector.load %arg0[%get3A_5, %get3A_6] : memref<2x320000xi32, #tpu.memory_space<vmem>>, vector<1x320000xi32>
    %get3A_8 = vector.shape_cast %get3A_7 : vector<1x320000xi32> to vector<320000xi32>
    %or3A = arith.ori %shift_left3A_4, %get3A_8 : vector<320000xi32>
    %iota3A = tpu.iota {dimensions = array<i32: 1>} : vector<1x7680xi32>
    %iota3A_9 = vector.shape_cast %iota3A : vector<1x7680xi32> to vector<7680xi32>
    %jit3A = arith.constant 240 : i32
    %eq3A = arith.constant 0 : i32
    %eq3A_10 = arith.cmpi eq, %jit3A, %eq3A : i32
    %jit3A_11 = arith.constant 1 : i32
    %select_n3A = arith.select %eq3A_10, %jit3A_11, %jit3A : i32
    %rem3A = vector.broadcast %select_n3A : i32 to vector<7680xi32>
    %rem3A_12 = arith.remsi %iota3A_9, %rem3A : vector<7680xi32>
    %ne3A = arith.constant 0 : i32
    %ne3A_13 = vector.broadcast %ne3A : i32 to vector<7680xi32>
    %ne3A_14 = arith.cmpi ne, %rem3A_12, %ne3A_13 : vector<7680xi32>
    %lt3A = arith.constant 0 : i32
    %lt3A_15 = vector.broadcast %lt3A : i32 to vector<7680xi32>
    %lt3A_16 = arith.cmpi slt, %rem3A_12, %lt3A_15 : vector<7680xi32>
    %lt3A_17 = arith.constant 0 : i32
    %lt3A_18 = arith.cmpi slt, %select_n3A, %lt3A_17 : i32
    %ne3A_19 = vector.broadcast %lt3A_18 : i1 to vector<7680xi1>
    %ne3A_20 = vector.broadcast %ne3A_19 : vector<7680xi1> to vector<7680xi1>
    %ne3A_21 = arith.xori %lt3A_16, %ne3A_20 : vector<7680xi1>
    %and3A = arith.andi %ne3A_21, %ne3A_14 : vector<7680xi1>
    %add3A = vector.broadcast %select_n3A : i32 to vector<7680xi32>
    %add3A_22 = arith.addi %rem3A_12, %add3A : vector<7680xi32>
    %select_n3A_23 = arith.select %and3A, %add3A_22, %rem3A_12 : vector<7680xi1>, vector<7680xi32>
    %shift_left3A_24 = arith.constant 14 : i32
    %shift_left3A_25 = vector.broadcast %shift_left3A_24 : i32 to vector<7680xi32>
    %shift_left3A_26 = arith.shli %select_n3A_23, %shift_left3A_25 : vector<7680xi32>
    %add3A_27 = arith.constant 10000 : i32
    %add3A_28 = vector.broadcast %add3A_27 : i32 to vector<7680xi32>
    %add3A_29 = arith.addi %add3A_28, %select_n3A_23 : vector<7680xi32>
    %or3A_30 = arith.ori %shift_left3A_26, %add3A_29 : vector<7680xi32>
    %concatenate3A = tpu.concatenate %or3A, %or3A_30 in 0 : vector<320000xi32>, vector<7680xi32> -> vector<327680xi32>
    %reshape3A = vector.shape_cast %concatenate3A : vector<327680xi32> to vector<32x80x128xi32>
    %swap3A = arith.constant 0 : index
    %swap3A_31 = arith.constant 0 : index
    %swap3A_32 = arith.constant 0 : index
    %swap3A_33 = vector.load %arg1[%swap3A, %swap3A_31, %swap3A_32] : memref<32x80x128xi32, #tpu.memory_space<vmem>>, vector<32x80x128xi32>
    tpu.vector_store %arg1[%swap3A, %swap3A_31, %swap3A_32], %reshape3A {strides = array<i32>} : memref<32x80x128xi32, #tpu.memory_space<vmem>>, vector<32x80x128xi32>,
    return
  }
}

module attributes {stable_mosaic.version = 14 : i64} {
  func.func @_tc_rel_body(%arg0: i32, %arg1: memref<2x1000x128xf32, #tpu.memory_space<vmem>>, %arg2: memref<1000x128xf32, #tpu.memory_space<vmem>>, %arg3: memref<128x128xf32, #tpu.memory_space<vmem>>, %arg4: memref<1x128xf32, #tpu.memory_space<vmem>>, %arg5: memref<1000x128xf32, #tpu.memory_space<vmem>>) attributes {dimension_semantics = [#tpu.dimension_semantics<arbitrary>], iteration_bounds = array<i64: 10>, scalar_prefetch = 0 : i64, scratch_operands = 0 : i64, tpu.core_type = #tpu.core_type<tc>, window_params = [{transform_indices = @transform_0, window_bounds = array<i64: 2, 1000, 128>}, {transform_indices = @transform_1, window_bounds = array<i64: 1000, 128>}, {pipeline_mode = #tpu.pipeline_mode<synchronous>, transform_indices = @transform_2, window_bounds = array<i64: 128, 128>}, {pipeline_mode = #tpu.pipeline_mode<synchronous>, transform_indices = @transform_3, window_bounds = array<i64: 1, 128>}, {transform_indices = @transform_4, window_bounds = array<i64: 1000, 128>}]} {
    %get3A = arith.constant 0 : index
    %get3A_0 = arith.constant 0 : index
    %get3A_1 = arith.constant 0 : index
    %get3A_2 = vector.load %arg1[%get3A, %get3A_0, %get3A_1] : memref<2x1000x128xf32, #tpu.memory_space<vmem>>, vector<1x1000x128xf32>
    %get3A_3 = vector.shape_cast %get3A_2 : vector<1x1000x128xf32> to vector<1000x128xf32>
    %get3A_4 = arith.constant 1 : index
    %get3A_5 = arith.constant 0 : index
    %get3A_6 = arith.constant 0 : index
    %get3A_7 = vector.load %arg1[%get3A_4, %get3A_5, %get3A_6] : memref<2x1000x128xf32, #tpu.memory_space<vmem>>, vector<1x1000x128xf32>
    %get3A_8 = vector.shape_cast %get3A_7 : vector<1x1000x128xf32> to vector<1000x128xf32>
    %add3A = arith.addf %get3A_3, %get3A_8 : vector<1000x128xf32>
    %get3A_9 = arith.constant 0 : index
    %get3A_10 = arith.constant 0 : index
    %get3A_11 = vector.load %arg3[%get3A_9, %get3A_10] : memref<128x128xf32, #tpu.memory_space<vmem>>, vector<128x128xf32>
    %dot_general3A = arith.constant dense<0.000000e+00> : vector<1000x128xf32>
    %dot_general3A_12 = tpu.matmul %add3A, %get3A_11, %dot_general3A {dimension_numbers = #tpu.dot_dimension_numbers<[1], [1], [0], [0], [0, 0, 1, 0], [], []>, transpose_lhs_hint = false} : vector<1000x128xf32>, vector<128x128xf32>, vector<1000x128xf32> -> vector<1000x128xf32>
    %get3A_13 = arith.constant 0 : index
    %get3A_14 = arith.constant 0 : index
    %get3A_15 = vector.load %arg2[%get3A_13, %get3A_14] : memref<1000x128xf32, #tpu.memory_space<vmem>>, vector<1000x128xf32>
    %add3A_16 = arith.addf %dot_general3A_12, %get3A_15 : vector<1000x128xf32>
    %get3A_17 = arith.constant 0 : index
    %get3A_18 = arith.constant 0 : index
    %get3A_19 = vector.load %arg4[%get3A_17, %get3A_18] : memref<1x128xf32, #tpu.memory_space<vmem>>, vector<1x128xf32>
    %gt3A = arith.constant 5.000000e-01 : f32
    %gt3A_20 = vector.broadcast %gt3A : f32 to vector<1x128xf32>
    %gt3A_21 = arith.cmpf ogt, %get3A_19, %gt3A_20 : vector<1x128xf32>
    %max3A = arith.constant 0.000000e+00 : f32
    %max3A_22 = vector.broadcast %max3A : f32 to vector<1000x128xf32>
    %max3A_23 = arith.maximumf %add3A_16, %max3A_22 : vector<1000x128xf32>
    %broadcast_in_dim3A = vector.shape_cast %gt3A_21 : vector<1x128xi1> to vector<1x128xi1>
    %broadcast_in_dim3A_24 = vector.broadcast %broadcast_in_dim3A : vector<1x128xi1> to vector<1000x128xi1>
    %select_n3A = arith.select %broadcast_in_dim3A_24, %max3A_23, %add3A_16 : vector<1000x128xi1>, vector<1000x128xf32>
    %swap3A = arith.constant 0 : index
    %swap3A_25 = arith.constant 0 : index
    %swap3A_26 = vector.load %arg5[%swap3A, %swap3A_25] : memref<1000x128xf32, #tpu.memory_space<vmem>>, vector<1000x128xf32>
    tpu.vector_store %arg5[%swap3A, %swap3A_25], %select_n3A {strides = array<i32>} : memref<1000x128xf32, #tpu.memory_space<vmem>>, vector<1000x128xf32>,
    return
  }
  func.func @transform_0(%arg0: i32) -> (i32, i32, i32) {
    %c0_i32 = arith.constant 0 : i32
    %c0_i32_0 = arith.constant 0 : i32
    %c0_i32_1 = arith.constant 0 : i32
    return %c0_i32, %arg0, %c0_i32_0 : i32, i32, i32
  }
  func.func @transform_1(%arg0: i32) -> (i32, i32) {
    %c0_i32 = arith.constant 0 : i32
    %c0_i32_0 = arith.constant 0 : i32
    return %arg0, %c0_i32 : i32, i32
  }
  func.func @transform_2(%arg0: i32) -> (i32, i32) {
    %c0_i32 = arith.constant 0 : i32
    %c0_i32_0 = arith.constant 0 : i32
    %c0_i32_1 = arith.constant 0 : i32
    return %c0_i32, %c0_i32_0 : i32, i32
  }
  func.func @transform_3(%arg0: i32) -> (i32, i32) {
    %c0_i32 = arith.constant 0 : i32
    %c0_i32_0 = arith.constant 0 : i32
    %c0_i32_1 = arith.constant 0 : i32
    return %c0_i32, %c0_i32_0 : i32, i32
  }
  func.func @transform_4(%arg0: i32) -> (i32, i32) {
    %c0_i32 = arith.constant 0 : i32
    %c0_i32_0 = arith.constant 0 : i32
    return %arg0, %c0_i32 : i32, i32
  }
}

module attributes {stable_mosaic.version = 14 : i64} {
  func.func @_tc_root_body(%arg0: i32, %arg1: memref<1000x128xf32, #tpu.memory_space<vmem>>, %arg2: memref<128x128xf32, #tpu.memory_space<vmem>>, %arg3: memref<1x128xf32, #tpu.memory_space<vmem>>, %arg4: memref<1000x128xf32, #tpu.memory_space<vmem>>) attributes {dimension_semantics = [#tpu.dimension_semantics<arbitrary>], iteration_bounds = array<i64: 10>, scalar_prefetch = 0 : i64, scratch_operands = 0 : i64, tpu.core_type = #tpu.core_type<tc>, window_params = [{transform_indices = @transform_0, window_bounds = array<i64: 1000, 128>}, {pipeline_mode = #tpu.pipeline_mode<synchronous>, transform_indices = @transform_1, window_bounds = array<i64: 128, 128>}, {pipeline_mode = #tpu.pipeline_mode<synchronous>, transform_indices = @transform_2, window_bounds = array<i64: 1, 128>}, {transform_indices = @transform_3, window_bounds = array<i64: 1000, 128>}]} {
    %get3A = arith.constant 0 : index
    %get3A_0 = arith.constant 0 : index
    %get3A_1 = vector.load %arg1[%get3A, %get3A_0] : memref<1000x128xf32, #tpu.memory_space<vmem>>, vector<1000x128xf32>
    %get3A_2 = arith.constant 0 : index
    %get3A_3 = arith.constant 0 : index
    %get3A_4 = vector.load %arg2[%get3A_2, %get3A_3] : memref<128x128xf32, #tpu.memory_space<vmem>>, vector<128x128xf32>
    %dot_general3A = arith.constant dense<0.000000e+00> : vector<1000x128xf32>
    %dot_general3A_5 = tpu.matmul %get3A_1, %get3A_4, %dot_general3A {dimension_numbers = #tpu.dot_dimension_numbers<[1], [1], [0], [0], [0, 0, 1, 0], [], []>, transpose_lhs_hint = false} : vector<1000x128xf32>, vector<128x128xf32>, vector<1000x128xf32> -> vector<1000x128xf32>
    %get3A_6 = arith.constant 0 : index
    %get3A_7 = arith.constant 0 : index
    %get3A_8 = vector.load %arg3[%get3A_6, %get3A_7] : memref<1x128xf32, #tpu.memory_space<vmem>>, vector<1x128xf32>
    %add3A = vector.broadcast %get3A_8 : vector<1x128xf32> to vector<1000x128xf32>
    %add3A_9 = arith.addf %dot_general3A_5, %add3A : vector<1000x128xf32>
    %swap3A = arith.constant 0 : index
    %swap3A_10 = arith.constant 0 : index
    %swap3A_11 = vector.load %arg4[%swap3A, %swap3A_10] : memref<1000x128xf32, #tpu.memory_space<vmem>>, vector<1000x128xf32>
    tpu.vector_store %arg4[%swap3A, %swap3A_10], %add3A_9 {strides = array<i32>} : memref<1000x128xf32, #tpu.memory_space<vmem>>, vector<1000x128xf32>,
    return
  }
  func.func @transform_0(%arg0: i32) -> (i32, i32) {
    %c0_i32 = arith.constant 0 : i32
    %c0_i32_0 = arith.constant 0 : i32
    return %arg0, %c0_i32 : i32, i32
  }
  func.func @transform_1(%arg0: i32) -> (i32, i32) {
    %c0_i32 = arith.constant 0 : i32
    %c0_i32_0 = arith.constant 0 : i32
    %c0_i32_1 = arith.constant 0 : i32
    return %c0_i32, %c0_i32_0 : i32, i32
  }
  func.func @transform_2(%arg0: i32) -> (i32, i32) {
    %c0_i32 = arith.constant 0 : i32
    %c0_i32_0 = arith.constant 0 : i32
    %c0_i32_1 = arith.constant 0 : i32
    return %c0_i32, %c0_i32_0 : i32, i32
  }
  func.func @transform_3(%arg0: i32) -> (i32, i32) {
    %c0_i32 = arith.constant 0 : i32
    %c0_i32_0 = arith.constant 0 : i32
    return %arg0, %c0_i32 : i32, i32
  }
}

</mosaic_0001>

<sc_bundles>
// kernel: closed_call.12.cloned.1.call-start
scs
__scs_entry_jumppad:
0x0: {  	(pc) =	sbr.rel $0x88, $3  }
0x1: {  	(tag) =	ssettag $0x0;
	lr =	simm.s32 $0x1  }
0x2: {  	[smem:$0x3F96] =	sst lr;
	_ =	strace $0xD0000000  }
0x3: {  	_ = 	snop  }
0x4: {  	_ = 	snop  }
0x5: {  	_ = 	snop  }
0x6: {  	_ = 	snop  }
0x7: {  	_ = 	snop  }
__scs_overlays_trampoline_lowered:
0x8: {  	[smem:$0x3FA5] =	sst s0  }
0x9: {  	[smem:$0x3FA6] =	sst s1  }
0xa: {  	[smem:$0x3FA7] =	sst s2  }
0xb: {  	[smem:$0x3FA8] =	sst s3  }
0xc: {  	[smem:$0x3FA9] =	sst s4  }
0xd: {  	[smem:$0x3FAA] =	sst s5  }
0xe: {  	[smem:$0x3FAB] =	sst s6  }
0xf: {  	[smem:$0x3FAC] =	sst s7  }
0x10: {  	[smem:$0x3FAD] =	sst s8  }
0x11: {  	[smem:$0x3FAE] =	sst s9;
	s0 =	simm.s32 @!p0 $0x0  }
0x12: {  	s1 =	sld [smem:$0x3F94];
	s0 =	simm.s32 @p0 $0x1  }
0x13: {  	[smem:$0x3FAF] =	sst s0;
	s0 =	simm.s32 @!p1 $0x0  }
0x14: {  	s2 =	sld [smem:$0x3F93];
	s0 =	simm.s32 @p1 $0x1  }
0x15: {  	[smem:$0x3FB0] =	sst s0;
	s0 =	simm.s32 @!p2 $0x0  }
0x16: {  	s3 =	sld [smem:$0x3FDB];
	s0 =	simm.s32 @p2 $0x1  }
0x17: {  	s4 =	simm.s32 $0x1BF5;
	[smem:$0x3FB2] =	sst s0  }
0x18: {  	s0 =	sld [smem:$0x3F95];
	_ =	swait.ge [sflag:s4], $0x0  }
0x19: {  	s7 =	sld [smem:$0x3F96]  }
0x1a: {  	s8 =	sadd.s32 $0xFFFFE003, lr  }
0x1b: {  	s9 =	sadd.s32 $0xFFFFFEF7, lr;
	s5 =	simm.s32 $0xFFFFFFFF;
	p2 =	slt.u32 s8, $0xFFFFF086  }
0x1c: {  	p1 =	slt.u32 s9, $0xF7A;
	s5 =	simm.s32 @!p2 $0x0  }
0x1d: {  	s5 =	simm.s32 @p1 $0x1;
	p0 =	seq.s32 s7, s2  }
0x1e: {  	s7 =	smul.u32 @!p0 $0xF7A, s2;
	p2 =	seq.s32 @!p0 s5, $0x0  }
0x1f: {  	s9 =	smul.u32 $0xF7A, s1;
	s8 =	simm.s32 @!p0 $0x1BF5;
	p2 =	por !p2, p0  }
0x20: {  	[sflag:s8] =	ssyncset.s32 @!p0 $0xFFFFF086;
	s6 =	sadd.s32 @!p0 s3, s7;
	s7 =	simm.s32 @!p0 $0x108  }
0x21: {  	s3 =	sadd.s32 s3, s9;
	s6 =	sadd.s32 @!p0 $0x88, s6;
	s7 =	simm.s32 @p2 $0x1082  }
0x22: {  	[simem:s7], [sflag:s8] =	dma.local @!p0 [hbm:s6], $0xF7A  }
0x23: {  	s9 =	sor.u32 $0xD0000000, s2;
	s6 =	simm.s32 $0x108;
	_ =	swait.ge @!p0 [sflag:s8], $0x0  }
0x24: {  	s3 =	sadd.s32 $0x88, s3;
	s6 =	simm.s32 @!p1 $0x1082;
	[sflag:s4] =	ssyncset.s32 $0xFFFFF086  }
0x25: {  	[simem:s6], [sflag:s4] =	dma.local [hbm:s3], $0xF7A  }
0x26: {  	[smem:$0x3F96] =	sst s1;
	(tag) =	ssettag s2;
	_ =	strace s9  }
0x27: {  	s1 =	sld [smem:$0x3FA6]  }
0x28: {  	s2 =	sld [smem:$0x3FA7]  }
0x29: {  	s4 =	sld [smem:$0x3FA9]  }
0x2a: {  	p0 =	seq.s32 s5, $0x0;
	s5 =	sld [smem:$0x3FAA]  }
0x2b: {  	s6 =	sld [smem:$0x3FAB]  }
0x2c: {  	s7 =	sld [smem:$0x3FAC]  }
0x2d: {  	s3 =	simm.s32 $0x108;
	s8 =	sld [smem:$0x3FAD]  }
0x2e: {  	s3 =	simm.s32 @!p0 $0x1082;
	s9 =	sld [smem:$0x3FAE]  }
0x2f: {  	lr =	sadd.s32 s0, s3;
	s0 =	sld [smem:$0x3FA5]  }
0x30: {  	s3 =	sld [smem:$0x3FA8]  }
0x31: {  	[smem:$0x3FB1] =	sst s10  }
0x32: {  	s10 =	sld [smem:$0x3FAF];
	_ =	sdelay $0x3  }
0x33: {  	p0 =	seq.s32 s10, $0x1;
	s10 =	sld [smem:$0x3FB1];
	_ =	sdelay $0x3  }
0x34: {  	[smem:$0x3FB1] =	sst s10  }
0x35: {  	s10 =	sld [smem:$0x3FB0];
	_ =	sdelay $0x3  }
0x36: {  	p1 =	seq.s32 s10, $0x1;
	s10 =	sld [smem:$0x3FB1];
	_ =	sdelay $0x3  }
0x37: {  	[smem:$0x3FB1] =	sst s10  }
0x38: {  	s10 =	sld [smem:$0x3FB2]  }
0x39: {  	_ = 	snop;
	(pc) =	sbr.ind lr, $3  }
0x3a: {  	_ = 	snop  }
0x3b: {  	_ = 	snop  }
0x3c: {  	p2 =	seq.s32 s10, $0x1;
	s10 =	sld [smem:$0x3FB1]  }
0x3d: {  	_ =	shalt  }
0x3e: {  	_ =	shalt  }
0x3f: {  	_ =	shalt  }
0x40: {  	_ =	shalt  }
0x41: {  	_ =	shalt  }
0x42: {  	_ =	shalt  }
0x43: {  	_ =	shalt  }
0x44: {  	_ =	shalt  }
0x45: {  	_ =	shalt  }
0x46: {  	_ =	shalt  }
0x47: {  	_ =	shalt  }
0x48: {  	_ =	shalt  }
0x49: {  	_ =	shalt  }
0x4a: {  	_ =	shalt  }
0x4b: {  	_ =	shalt  }
0x4c: {  	_ =	shalt  }
0x4d: {  	_ =	shalt  }
0x4e: {  	_ =	shalt  }
0x4f: {  	_ =	shalt  }
0x50: {  	_ =	shalt  }
0x51: {  	_ =	shalt  }
0x52: {  	_ =	shalt  }
0x53: {  	_ =	shalt  }
0x54: {  	_ =	shalt  }
0x55: {  	_ =	shalt  }
0x56: {  	_ =	shalt  }
0x57: {  	_ =	shalt  }
0x58: {  	_ =	shalt  }
0x59: {  	_ =	shalt  }
0x5a: {  	_ =	shalt  }
0x5b: {  	_ =	shalt  }
0x5c: {  	_ =	shalt  }
0x5d: {  	_ =	shalt  }
0x5e: {  	_ =	shalt  }
0x5f: {  	_ =	shalt  }
0x60: {  	_ =	shalt  }
0x61: {  	_ =	shalt  }
0x62: {  	_ =	shalt  }
0x63: {  	_ =	shalt  }
0x64: {  	_ =	shalt  }
0x65: {  	_ =	shalt  }
0x66: {  	_ =	shalt  }
0x67: {  	_ =	shalt  }
0x68: {  	_ =	shalt  }
0x69: {  	_ =	shalt  }
0x6a: {  	_ =	shalt  }
0x6b: {  	_ =	shalt  }
0x6c: {  	_ =	shalt  }
0x6d: {  	_ =	shalt  }
0x6e: {  	_ =	shalt  }
0x6f: {  	_ =	shalt  }
0x70: {  	_ =	shalt  }
0x71: {  	_ =	shalt  }
0x72: {  	_ =	shalt  }
0x73: {  	_ =	shalt  }
0x74: {  	_ =	shalt  }
0x75: {  	_ =	shalt  }
0x76: {  	_ =	shalt  }
0x77: {  	_ =	shalt  }
0x78: {  	_ =	shalt  }
0x79: {  	_ =	shalt  }
0x7a: {  	_ =	shalt  }
0x7b: {  	_ =	shalt  }
0x7c: {  	_ =	shalt  }
0x7d: {  	_ =	shalt  }
0x7e: {  	_ =	shalt  }
0x7f: {  	_ =	shalt  }
0x80: {  	_ =	shalt  }
0x81: {  	_ =	shalt  }
0x82: {  	_ =	shalt  }
0x83: {  	_ =	shalt  }
0x84: {  	_ =	shalt  }
0x85: {  	_ =	shalt  }
0x86: {  	_ =	shalt  }
0x87: {  	_ =	shalt  }
.Lfunc_end0:
.L_simem_size_0:
called_computation_lowered:
.L_overlay_start_0:
0x88: {  	s2 =	sld [smem:$0x3FD9]  }
0x89: {  	s3 =	sld [smem:$0x3FFE];
	_ =	sdelay $0x1  }
0x8a: {  	s1 =	srdreg.scid  }
0x8b: {  	s0 =	sand.u32 $0x1, s1  }
0x8c: {  	s17 =	sshll.u32 s0, $0xA;
	s2 =	sadd.s32 s3, s2  }
0x8d: {  	s2 =	sadd.s32 s2, s17  }
0x8e: {  	[smem:$0x3FBD] =	sst s2  }
0x8f: {  	_ = 	snop  }
0x90: {  	s2 =	sld [smem:$0x3FD0];
	(tm) =	ssettm $0x1  }
0x91: {  	s18 =	sld [smem:$0x3FFB];
	_ =	sdelay $0x3  }
0x92: {  	_ =	strace s18  }
0x93: {  	s3 =	sld [smem:$0x3FFC];
	_ =	sdelay $0x3  }
0x94: {  	_ =	strace s3  }
0x95: {  	s3 =	sld [smem:$0x3FFD];
	_ =	sdelay $0x3  }
0x96: {  	_ =	strace s3  }
0x97: {  	_ =	strace $0x8FFFFFFF  }
0x98: {  	s19 =	sld [smem:$0x3FDB];
	_ =	sdelay $0x1  }
0x99: {  	s4 =	simm.s32 $_scs_section_size  }
0x9a: {  	s5 =	simm.s32 $_size__tile_overlayer_lowered;
	s6 =	simm.s32 $_tile_overlayer_lowered  }
0x9b: {  	s22 =	simm.s32 $0x1BFF;
	s21 =	sshll.u32 s6, $0x1;
	s3 =	sadd.s32 s4, s19  }
0x9c: {  	s7 =	simm.s32 $0x0;
	s20 =	sshll.u32 s5, $0x1;
	s5 =	sadd.s32 s21, s3  }
0x9d: {  	[timem:s7], [sflag:s22] =	dma.local [hbm:s5], s20  }
0x9e: {  	_ =	swait.ge [sflag:s22], s20  }
0x9f: {  	s4 =	ssub.s32 $0x0, s20;
	[sflag:s22] =	ssyncset.done $0x0  }
0xa0: {  	[sflag:s22] =	ssyncadd.s32 s4;
	_ =	sdelay $0x1  }
0xa1: {  	s23 =	simm.s32 $0x1B8B  }
0xa2: {  	_ =	swait.ge [sflag:s23], $0x1  }
0xa3: {  	[sflag:s23] =	ssyncset.done $0x0  }
0xa4: {  	s25 =	simm.s32 $0x1B8E;
	s24 =	sld [smem:$0x3FFE];
	[sflag:s23] =	ssyncadd.s32 $0xFFFFFFFF  }
0xa5: {  	s26 =	simm.s32 $execute0_lowered;
	[smem:$0x3FD2] =	sst s25  }
0xa6: {  	s5 =	sshll.u32 s26, $0x1;
	_ =	strace $0x80000046;
	[dreg:$0x1] =	wrdreg $0xFFFFFFFF  }
0xa7: {  	s28 =	simm.s32 $_size_execute0_lowered;
	s3 =	sadd.s32 s3, s5;
	[dreg:$0x0] =	wrdreg $0x0  }
0xa8: {  	s5 =	sshll.u32 s28, $0x1;
	[dreg:$0x2] =	wrdreg s3  }
0xa9: {  	[dreg:$0x3] =	wrdreg s5  }
0xaa: {  	[dreg:$0x4] =	wrdreg $0xC0  }
0xab: {  	_ =	task [dreg:s7], $0x5FFFF  }
0xac: {  	[dreg:$0x1] =	wrdreg $0xFFFFFFFF  }
0xad: {  	[dreg:$0x0] =	wrdreg $0x60  }
0xae: {  	[dreg:$0x2] =	wrdreg s2  }
0xaf: {  	[dreg:$0x3] =	wrdreg s24  }
0xb0: {  	[dreg:$0x4] =	wrdreg $0xAA000  }
0xb1: {  	[dreg:$0x5] =	wrdreg $0x9  }
0xb2: {  	_ =	task.clear_ibuf [dreg:s7], $0x6FFFF;
	_ =	strace $0x90000046  }
0xb3: {  	s29 =	simm.s32 $0x9;
	_ =	strace $0x80000048  }
0xb4: {  	_ =	swait.ge [sflag:s29], $0x1  }
0xb5: {  	[sflag:s29] =	ssyncadd.s32 $0xFFFFFFFF  }
0xb6: {  	_ =	strace $0x90000048  }
0xb7: {  	_ =	sfence  }
0xb8: {  	s30 =	sld [smem:$0x0];
	_ =	sdelay $0x2  }
0xb9: {  	s31 =	sshll.u32 s1, $0xD;
	s1 =	sshrl.u32 s1, $0x2  }
0xba: {  	s3 =	sand.u32 $0x4000, s31;
	s1 =	sadd.s32 s1, s30  }
0xbb: {  	s0 =	sor.u32 s3, s0;
	s1 =	sshll.u32 s1, $0x11  }
0xbc: {  	s0 =	sor.u32 s1, s0  }
0xbd: {  	s0 =	sadd.s32 $0x8F2B, s0  }
0xbe: {  	[sflag:s0] =	ssyncadd.remote.s32 $0x1  }
0xbf: {  	_ =	sfence.sel $0xFFFF  }
0xc0: {  	[dreg:$0x0] =	wrdreg $0xFFFFFFFF;
	(pc) =	sbr.abs _section_cstart, $3  }
0xc1: {  	[dreg:$0x1] =	wrdreg $0xFFFFFFFF  }
0xc2: {  	_ =	task.clear_ibuf [dreg:s7], $0x2FFFF;
	_ =	strace $0x9FFFFFFF  }
0xc3: {  	(tm) =	ssettm $0x7FFFFFFF  }
tec
execute0_lowered:
.L_overlay_start_1:
0x0: {  	(tag) =	ssettag $0x1  }
0x1: {  	s1 =	rddreg [dreg:$0x0]  }
0x2: {  	s5 =	rddreg [dreg:$0x1]  }
0x3: {  	s3 =	rddreg [dreg:$0x2]  }
0x4: {  	s2 =	srdreg.scid;
	s0 =	rddreg [dreg:$0x3]  }
0x5: {  	s4 =	simm.s32 $0x0;
	s13 =	simm.s32 $0x6A00;
	s14 =	simm.s32 $0x1  }
0x6: {  	s15 =	simm.s32 $0x80;
	s16 =	simm.s32 $0x2800;
	s17 =	simm.s32 $0x2A00  }
0x7: {  	s18 =	simm.s32 $0x3;
	s19 =	simm.s32 $0x2900;
	s20 =	simm.s32 $0x2880  }
0x8: {  	s21 =	simm.s32 $0x4;
	s22 =	simm.s32 $0x2;
	s6 =	sand.u32 $0x1, s2  }
0x9: {  	s23 =	simm.s32 $0x2980;
	s2 =	stileid.u32;
	s8 =	smul.u32 $0x140000, s6  }
0xa: {  	s24 =	simm.s32 $0x0;
	[smem:$0x7FF] =	sst s4;
	s9 =	smul.u32 $0x14000, s2  }
0xb: {  	s7 =	sshll.u32 s6, $0x4;
	s29 =	smul.u32 $0x50000, s2;
	s6 =	ssub.s32 $0x2, s6  }
0xc: {  	_ =	strace $0x80000047;
	s7 =	sor.u32 s2, s7;
	s30 =	sshrl.u32 s6, $0x1  }
0xd: {  	s7 =	smul.u32 $0x500, s7;
	s8 =	sadd.s32 s9, s8;
	s31 =	sshrl.u32 s29, $0x2  }
0xe: {  	s12 =	ssub.s32 s6, s30;
	s8 =	sshrl.u32 s8, $0x3;
	s6 =	sadd.s32 s31, s3  }
0xf: {  	s12 =	smax.u32 s12, $0x1;
	s7 =	sadd.s32 s7, s5;
	s11 =	sadd.s32 s8, s5  }
0x10: {  	s8 =	sadd.s32 $0x8000, s6;
	s9 =	sadd.s32 $0xC000, s6;
	s10 =	sadd.s32 $0x10000, s6  }
0x11: {  	v0 =	vimm.f32 $0.0e+00;
	s5 =	sadd.s32 $0x3000, s7;
	s7 =	sadd.s32 $0x4000, s6;
	s11 =	sadd.s32 $0xD000, s11  }
.LBB2_1:
0x12: {  	[tilespmem:s4], [sflag:$0x1] =	stream.linear.gather [hbm4b:s5+s4], $0x2800, $0x38;
	[tilespmem:$0x1EA00] =	vst v63  }
0x13: {  	s25 =	simm.s32 $0x0;
	s26 =	simm.s32 $0x200  }
.LBB2_2:
0x14: {  	p0 =	sne.s32 s26, $0xFE00;
	[tilespmem:s25+$0x6A70] =	vst v0  }
0x15: {  	[tilespmem:s25+$0x6A00] =	vst v0  }
0x16: {  	[tilespmem:s25+$0x6A10] =	vst v0  }
.Ltmp0:
0x17: {  	[tilespmem:s25+$0x6A20] =	vst v0;
	(pc) =	sbr.rel @p0 .LBB2_2-.Ltmp0, $4  }
0x18: {  	[tilespmem:s25+$0x6A30] =	vst v0  }
0x19: {  	[tilespmem:s25+$0x6A40] =	vst v0  }
0x1a: {  	[tilespmem:s25+$0x6A50] =	vst v0  }
0x1b: {  	[tilespmem:s25+$0x6A60] =	vst v0;
	s25 =	sshra.s32 s26, $0x2;
	s26 =	sadd.s32 $0x200, s26  }
0x1c: {  	[tilespmem:s25+$0x6A70] =	vst v0  }
0x1d: {  	[tilespmem:s25+$0x6A00] =	vst v0  }
0x1e: {  	[tilespmem:s25+$0x6A10] =	vst v0  }
0x1f: {  	[tilespmem:s25+$0x6A20] =	vst v0  }
0x20: {  	[tilespmem:s25+$0x6A30] =	vst v0  }
0x21: {  	[tilespmem:s25+$0x6A40] =	vst v0  }
0x22: {  	[tilespmem:s25+$0x6A50] =	vst v0  }
0x23: {  	[tilespmem:s25+$0x6A60] =	vst v0  }
0x24: {  	[spmem:s6] =	stream.linear.scatter [tilespmem:s13], [sflag:$0x3], $0x4000, $0x38;
	[tilespmem:$0x1EA00] =	vst v63  }
0x25: {  	_ = 	snop  }
0x26: {  	[spmem:s7] =	stream.linear.scatter [tilespmem:s13], [sflag:$0x3], $0x4000, $0x38;
	[tilespmem:$0x1EA00] =	vst v63  }
0x27: {  	_ = 	snop  }
0x28: {  	[spmem:s8] =	stream.linear.scatter [tilespmem:s13], [sflag:$0x3], $0x4000, $0x38;
	[tilespmem:$0x1EA00] =	vst v63  }
0x29: {  	_ = 	snop  }
0x2a: {  	[spmem:s9] =	stream.linear.scatter [tilespmem:s13], [sflag:$0x3], $0x4000, $0x38;
	[tilespmem:$0x1EA00] =	vst v63  }
0x2b: {  	_ = 	snop  }
0x2c: {  	[spmem:s10] =	stream.linear.scatter [tilespmem:s13], [sflag:$0x3], $0x4000, $0x38;
	[tilespmem:$0x1EA00] =	vst v63  }
0x2d: {  	_ =	swait.ge [sflag:s14], $0x2800  }
0x2e: {  	[sflag:s14] =	ssyncset.done $0x0  }
0x2f: {  	[sflag:s14] =	ssyncadd.s32 $0xFFFFD800  }
0x30: {  	v1 =	vld [tilespmem:$0x0];
	_ =	sdelay $0x1  }
0x31: {  	v2 =	vld [tilespmem:$0x10];
	_ =	sdelay $0x1  }
0x32: {  	v3 =	vld [tilespmem:$0x20]  }
0x33: {  	v4 =	vshrl.u32 v1, $0xE  }
0x34: {  	v62 =	vld [tilespmem:$0x30];
	v1 =	vand.u32 $0x3FFF, v1;
	[tilespmem:$0x2800] =	vst v4  }
0x35: {  	[tilespmem:$0x2880] =	vst v1;
	v1 =	vshrl.u32 v2, $0xE  }
0x36: {  	[tilespmem:$0x2810] =	vst v1;
	v1 =	vand.u32 $0x3FFF, v2;
	v2 =	vld [tilespmem:$0x40]  }
0x37: {  	[tilespmem:$0x2890] =	vst v1;
	v1 =	vshrl.u32 v3, $0xE  }
0x38: {  	[tilespmem:$0x2820] =	vst v1;
	v1 =	vand.u32 $0x3FFF, v3;
	v3 =	vld [tilespmem:$0x50]  }
0x39: {  	[tilespmem:$0x28A0] =	vst v1;
	v1 =	vshrl.u32 v62, $0xE  }
0x3a: {  	v63 =	vld [tilespmem:$0x60];
	[tilespmem:$0x2830] =	vst v1;
	v1 =	vand.u32 $0x3FFF, v62  }
0x3b: {  	[tilespmem:$0x28B0] =	vst v1;
	v1 =	vshrl.u32 v2, $0xE  }
0x3c: {  	[tilespmem:$0x2840] =	vst v1;
	v1 =	vand.u32 $0x3FFF, v2;
	v2 =	vld [tilespmem:$0x70]  }
0x3d: {  	[tilespmem:$0x28C0] =	vst v1;
	v1 =	vshrl.u32 v3, $0xE  }
0x3e: {  	[tilespmem:$0x2850] =	vst v1;
	v1 =	vand.u32 $0x3FFF, v3  }
0x3f: {  	[tilespmem:$0x28D0] =	vst v1;
	v1 =	vshrl.u32 v63, $0xE  }
0x40: {  	[tilespmem:$0x2860] =	vst v1;
	v1 =	vand.u32 $0x3FFF, v63  }
0x41: {  	[tilespmem:$0x28E0] =	vst v1;
	v1 =	vshrl.u32 v2, $0xE  }
0x42: {  	[tilespmem:$0x2870] =	vst v1;
	v1 =	vand.u32 $0x3FFF, v2  }
0x43: {  	[tilespmem:$0x28F0] =	vst v1  }
0x44: {  	[tilespmem:s17], [sflag:$0x1] =	stream.indirect.gather [hbm4b:s1+s15], $0x80, s16, s15, $0xb8;
	[tilespmem:$0x1EA00] =	vst v63  }
0x45: {  	_ =	swait.ge [sflag:s18], $0x4000  }
0x46: {  	[sflag:s18] =	ssyncset.done $0x0  }
0x47: {  	[sflag:s18] =	ssyncadd.s32 $0xFFFFC000  }
0x48: {  	_ =	swait.ge [sflag:s18], $0x4000  }
0x49: {  	[sflag:s18] =	ssyncset.done $0x0  }
0x4a: {  	[sflag:s18] =	ssyncadd.s32 $0xFFFFC000  }
0x4b: {  	_ =	swait.ge [sflag:s18], $0x4000  }
0x4c: {  	[sflag:s18] =	ssyncset.done $0x0  }
0x4d: {  	[sflag:s18] =	ssyncadd.s32 $0xFFFFC000  }
0x4e: {  	_ =	swait.ge [sflag:s18], $0x4000  }
0x4f: {  	[sflag:s18] =	ssyncset.done $0x0  }
0x50: {  	[sflag:s18] =	ssyncadd.s32 $0xFFFFC000  }
0x51: {  	_ =	swait.ge [sflag:s18], $0x4000  }
0x52: {  	[sflag:s18] =	ssyncset.done $0x0  }
0x53: {  	[sflag:s18] =	ssyncadd.s32 $0xFFFFC000  }
0x54: {  	s28 =	simm.s32 $0x0;
	[bflag:$0x0] =	sbarrier.arrive $0xFFFF  }
0x55: {  	v1 =	vld [tilespmem:s28+$0x80];
	_ =	sdelay $0x4  }
0x56: {  	v2 =	vshrl.u32 v1, $0xE  }
0x57: {  	v1 =	vand.u32 $0x3FFF, v1;
	[tilespmem:$0x2900] =	vst v2  }
0x58: {  	[tilespmem:$0x2980] =	vst v1  }
0x59: {  	v1 =	vld [tilespmem:s28+$0x90];
	_ =	sdelay $0x4  }
0x5a: {  	v2 =	vshrl.u32 v1, $0xE  }
0x5b: {  	v1 =	vand.u32 $0x3FFF, v1;
	[tilespmem:$0x2910] =	vst v2  }
0x5c: {  	[tilespmem:$0x2990] =	vst v1  }
0x5d: {  	v1 =	vld [tilespmem:s28+$0xA0];
	_ =	sdelay $0x4  }
0x5e: {  	v2 =	vshrl.u32 v1, $0xE  }
0x5f: {  	v1 =	vand.u32 $0x3FFF, v1;
	[tilespmem:$0x2920] =	vst v2  }
0x60: {  	[tilespmem:$0x29A0] =	vst v1  }
0x61: {  	v1 =	vld [tilespmem:s28+$0xB0];
	_ =	sdelay $0x4  }
0x62: {  	v2 =	vshrl.u32 v1, $0xE  }
0x63: {  	v1 =	vand.u32 $0x3FFF, v1;
	[tilespmem:$0x2930] =	vst v2  }
0x64: {  	[tilespmem:$0x29B0] =	vst v1  }
0x65: {  	v1 =	vld [tilespmem:s28+$0xC0];
	_ =	sdelay $0x4  }
0x66: {  	v2 =	vshrl.u32 v1, $0xE  }
0x67: {  	v1 =	vand.u32 $0x3FFF, v1;
	[tilespmem:$0x2940] =	vst v2  }
0x68: {  	[tilespmem:$0x29C0] =	vst v1  }
0x69: {  	v1 =	vld [tilespmem:s28+$0xD0];
	_ =	sdelay $0x4  }
0x6a: {  	v2 =	vshrl.u32 v1, $0xE  }
0x6b: {  	v1 =	vand.u32 $0x3FFF, v1;
	[tilespmem:$0x2950] =	vst v2  }
0x6c: {  	[tilespmem:$0x29D0] =	vst v1  }
0x6d: {  	v1 =	vld [tilespmem:s28+$0xE0];
	_ =	sdelay $0x4  }
0x6e: {  	v2 =	vshrl.u32 v1, $0xE  }
0x6f: {  	v1 =	vand.u32 $0x3FFF, v1;
	[tilespmem:$0x2960] =	vst v2  }
0x70: {  	[tilespmem:$0x29E0] =	vst v1  }
0x71: {  	v1 =	vld [tilespmem:s28+$0xF0];
	_ =	sdelay $0x4  }
0x72: {  	v2 =	vshrl.u32 v1, $0xE  }
0x73: {  	v1 =	vand.u32 $0x3FFF, v1;
	[tilespmem:$0x2970] =	vst v2  }
0x74: {  	[tilespmem:$0x29F0] =	vst v1  }
0x75: {  	[tilespmem:s13], [sflag:$0x2] =	stream.indirect.gather [hbm4b:s1+s15], $0x80, s19, s15, $0xb8;
	[tilespmem:$0x1EA00] =	vst v63  }
0x76: {  	_ =	swait.ge [sflag:s14], $0x4000  }
0x77: {  	[sflag:s14] =	ssyncset.done $0x0  }
0x78: {  	[sflag:s14] =	ssyncadd.s32 $0xFFFFC000  }
0x79: {  	[spmem:s3] =	stream.indirect.scatter [tilespmem:s17], [sflag:$0x4], $0x80, s20, s15, $0xb8;
	[tilespmem:$0x1EA00] =	vst v63  }
0x7a: {  	_ =	swait.ge [sflag:s21], $0x4000  }
0x7b: {  	p1 =	por $0x0, $0x0;
	[sflag:s21] =	ssyncset.done $0x0  }
0x7c: {  	s26 =	simm.s32 @!p1 $0x0;
	[sflag:s21] =	ssyncadd.s32 $0xFFFFC000  }
0x7d: {  	v1 =	vld @!p1 [tilespmem:s26+$0x100];
	_ =	sdelay $0x4  }
0x7e: {  	v2 =	vshrl.u32 @!p1 v1, $0xE  }
0x7f: {  	v1 =	vand.u32 @!p1 $0x3FFF, v1;
	[tilespmem:$0x2800] =	vst @!p1 v2  }
0x80: {  	[tilespmem:$0x2880] =	vst @!p1 v1  }
0x81: {  	v1 =	vld @!p1 [tilespmem:s26+$0x110];
	_ =	sdelay $0x4  }
0x82: {  	v2 =	vshrl.u32 @!p1 v1, $0xE  }
0x83: {  	v1 =	vand.u32 @!p1 $0x3FFF, v1;
	[tilespmem:$0x2810] =	vst @!p1 v2  }
0x84: {  	[tilespmem:$0x2890] =	vst @!p1 v1  }
0x85: {  	v1 =	vld @!p1 [tilespmem:s26+$0x120];
	_ =	sdelay $0x4  }
0x86: {  	v2 =	vshrl.u32 @!p1 v1, $0xE  }
0x87: {  	v1 =	vand.u32 @!p1 $0x3FFF, v1;
	[tilespmem:$0x2820] =	vst @!p1 v2  }
0x88: {  	[tilespmem:$0x28A0] =	vst @!p1 v1  }
0x89: {  	v1 =	vld @!p1 [tilespmem:s26+$0x130];
	_ =	sdelay $0x4  }
0x8a: {  	v2 =	vshrl.u32 @!p1 v1, $0xE  }
0x8b: {  	v1 =	vand.u32 @!p1 $0x3FFF, v1;
	[tilespmem:$0x2830] =	vst @!p1 v2  }
0x8c: {  	[tilespmem:$0x28B0] =	vst @!p1 v1  }
0x8d: {  	v1 =	vld @!p1 [tilespmem:s26+$0x140];
	_ =	sdelay $0x4  }
0x8e: {  	v2 =	vshrl.u32 @!p1 v1, $0xE  }
0x8f: {  	v1 =	vand.u32 @!p1 $0x3FFF, v1;
	[tilespmem:$0x2840] =	vst @!p1 v2  }
0x90: {  	[tilespmem:$0x28C0] =	vst @!p1 v1  }
0x91: {  	v1 =	vld @!p1 [tilespmem:s26+$0x150];
	_ =	sdelay $0x4  }
0x92: {  	v2 =	vshrl.u32 @!p1 v1, $0xE  }
0x93: {  	v1 =	vand.u32 @!p1 $0x3FFF, v1;
	[tilespmem:$0x2850] =	vst @!p1 v2  }
0x94: {  	[tilespmem:$0x28D0] =	vst @!p1 v1  }
0x95: {  	v1 =	vld @!p1 [tilespmem:s26+$0x160];
	_ =	sdelay $0x4  }
0x96: {  	s25 =	simm.s32 $0x400;
	v2 =	vshrl.u32 @!p1 v1, $0xE  }
0x97: {  	s29 =	simm.s32 @!p1 $0x80;
	s30 =	simm.s32 @!p1 $0x2800;
	s31 =	simm.s32 @!p1 $0x2A00;
	v1 =	vand.u32 @!p1 $0x3FFF, v1;
	[tilespmem:$0x2860] =	vst @!p1 v2  }
.LBB2_4:
0x98: {  	[tilespmem:$0x28E0] =	vst @!p1 v1;
	s28 =	smov.u32 s25;
	s25 =	sadd.s32 $0x400, s25  }
0x99: {  	p0 =	sne.s32 s25, $0xA000;
	v1 =	vld @!p1 [tilespmem:s26+$0x170];
	_ =	sdelay $0x4  }
0x9a: {  	v2 =	vshrl.u32 @!p1 v1, $0xE;
	v1 =	vand.u32 @!p1 $0x3FFF, v1  }
0x9b: {  	[tilespmem:$0x2870] =	vst @!p1 v2  }
0x9c: {  	[tilespmem:$0x28F0] =	vst @!p1 v1  }
0x9d: {  	[tilespmem:s31], [sflag:$0x1] =	stream.indirect.gather @!p1 [hbm4b:s1+s29], $0x80, s30, s29, $0xb8;
	[tilespmem:$0x1EA00] =	vst v63  }
0x9e: {  	_ =	swait.ge [sflag:s22], $0x4000  }
0x9f: {  	[sflag:s22] =	ssyncset.done $0x0  }
0xa0: {  	[sflag:s22] =	ssyncadd.s32 $0xFFFFC000  }
0xa1: {  	[spmem:s3] =	stream.indirect.scatter [tilespmem:s13], [sflag:$0x4], $0x80, s23, s15, $0xb8;
	[tilespmem:$0x1EA00] =	vst v63  }
0xa2: {  	_ =	swait.ge [sflag:s21], $0x4000  }
0xa3: {  	[sflag:s21] =	ssyncset.done $0x0  }
0xa4: {  	s26 =	sshra.s32 s28, $0x2;
	[sflag:s21] =	ssyncadd.s32 $0xFFFFC000  }
0xa5: {  	v1 =	vld [tilespmem:s26+$0x80];
	_ =	sdelay $0x4  }
0xa6: {  	v2 =	vshrl.u32 v1, $0xE;
	v1 =	vand.u32 $0x3FFF, v1  }
0xa7: {  	[tilespmem:$0x2900] =	vst v2  }
0xa8: {  	[tilespmem:$0x2980] =	vst v1  }
0xa9: {  	v1 =	vld [tilespmem:s26+$0x90];
	_ =	sdelay $0x4  }
0xaa: {  	v2 =	vshrl.u32 v1, $0xE;
	v1 =	vand.u32 $0x3FFF, v1  }
0xab: {  	[tilespmem:$0x2910] =	vst v2  }
0xac: {  	[tilespmem:$0x2990] =	vst v1  }
0xad: {  	v1 =	vld [tilespmem:s26+$0xA0];
	_ =	sdelay $0x4  }
0xae: {  	v2 =	vshrl.u32 v1, $0xE;
	v1 =	vand.u32 $0x3FFF, v1  }
0xaf: {  	[tilespmem:$0x2920] =	vst v2  }
0xb0: {  	[tilespmem:$0x29A0] =	vst v1  }
0xb1: {  	v1 =	vld [tilespmem:s26+$0xB0];
	_ =	sdelay $0x4  }
0xb2: {  	v2 =	vshrl.u32 v1, $0xE;
	v1 =	vand.u32 $0x3FFF, v1  }
0xb3: {  	[tilespmem:$0x2930] =	vst v2  }
0xb4: {  	[tilespmem:$0x29B0] =	vst v1  }
0xb5: {  	v1 =	vld [tilespmem:s26+$0xC0];
	_ =	sdelay $0x4  }
0xb6: {  	v2 =	vshrl.u32 v1, $0xE;
	v1 =	vand.u32 $0x3FFF, v1  }
0xb7: {  	[tilespmem:$0x2940] =	vst v2  }
0xb8: {  	[tilespmem:$0x29C0] =	vst v1  }
0xb9: {  	v1 =	vld [tilespmem:s26+$0xD0];
	_ =	sdelay $0x4  }
0xba: {  	v2 =	vshrl.u32 v1, $0xE;
	v1 =	vand.u32 $0x3FFF, v1  }
0xbb: {  	[tilespmem:$0x2950] =	vst v2  }
0xbc: {  	[tilespmem:$0x29D0] =	vst v1  }
0xbd: {  	v1 =	vld [tilespmem:s26+$0xE0];
	_ =	sdelay $0x4  }
0xbe: {  	v2 =	vshrl.u32 v1, $0xE;
	v1 =	vand.u32 $0x3FFF, v1  }
0xbf: {  	[tilespmem:$0x2960] =	vst v2  }
0xc0: {  	[tilespmem:$0x29E0] =	vst v1  }
0xc1: {  	v1 =	vld [tilespmem:s26+$0xF0];
	_ =	sdelay $0x4  }
0xc2: {  	v2 =	vshrl.u32 v1, $0xE;
	v1 =	vand.u32 $0x3FFF, v1  }
0xc3: {  	p1 =	seq.s32 s28, $0x9C00;
	[tilespmem:$0x2970] =	vst v2  }
0xc4: {  	s26 =	sshra.s32 @!p1 s28, $0x2;
	[tilespmem:$0x29F0] =	vst v1  }
0xc5: {  	[tilespmem:s13], [sflag:$0x2] =	stream.indirect.gather [hbm4b:s1+s15], $0x80, s19, s15, $0xb8;
	[tilespmem:$0x1EA00] =	vst v63  }
0xc6: {  	_ =	swait.ge [sflag:s14], $0x4000  }
0xc7: {  	[sflag:s14] =	ssyncset.done $0x0  }
0xc8: {  	[sflag:s14] =	ssyncadd.s32 $0xFFFFC000  }
0xc9: {  	[spmem:s3] =	stream.indirect.scatter [tilespmem:s17], [sflag:$0x4], $0x80, s20, s15, $0xb8;
	[tilespmem:$0x1EA00] =	vst v63  }
0xca: {  	_ =	swait.ge [sflag:s21], $0x4000  }
0xcb: {  	[sflag:s21] =	ssyncset.done $0x0  }
0xcc: {  	[sflag:s21] =	ssyncadd.s32 $0xFFFFC000  }
0xcd: {  	v1 =	vld @!p1 [tilespmem:s26+$0x100];
	_ =	sdelay $0x4  }
0xce: {  	v2 =	vshrl.u32 @!p1 v1, $0xE;
	v1 =	vand.u32 @!p1 $0x3FFF, v1  }
0xcf: {  	[tilespmem:$0x2800] =	vst @!p1 v2  }
0xd0: {  	[tilespmem:$0x2880] =	vst @!p1 v1  }
0xd1: {  	v1 =	vld @!p1 [tilespmem:s26+$0x110];
	_ =	sdelay $0x4  }
0xd2: {  	v2 =	vshrl.u32 @!p1 v1, $0xE;
	v1 =	vand.u32 @!p1 $0x3FFF, v1  }
0xd3: {  	[tilespmem:$0x2810] =	vst @!p1 v2  }
0xd4: {  	[tilespmem:$0x2890] =	vst @!p1 v1  }
0xd5: {  	v1 =	vld @!p1 [tilespmem:s26+$0x120];
	_ =	sdelay $0x4  }
0xd6: {  	v2 =	vshrl.u32 @!p1 v1, $0xE;
	v1 =	vand.u32 @!p1 $0x3FFF, v1  }
0xd7: {  	[tilespmem:$0x2820] =	vst @!p1 v2  }
0xd8: {  	[tilespmem:$0x28A0] =	vst @!p1 v1  }
0xd9: {  	v1 =	vld @!p1 [tilespmem:s26+$0x130];
	_ =	sdelay $0x4  }
0xda: {  	v2 =	vshrl.u32 @!p1 v1, $0xE;
	v1 =	vand.u32 @!p1 $0x3FFF, v1  }
0xdb: {  	[tilespmem:$0x2830] =	vst @!p1 v2  }
0xdc: {  	[tilespmem:$0x28B0] =	vst @!p1 v1  }
0xdd: {  	v1 =	vld @!p1 [tilespmem:s26+$0x140];
	_ =	sdelay $0x4  }
0xde: {  	v2 =	vshrl.u32 @!p1 v1, $0xE;
	v1 =	vand.u32 @!p1 $0x3FFF, v1  }
0xdf: {  	[tilespmem:$0x2840] =	vst @!p1 v2  }
0xe0: {  	[tilespmem:$0x28C0] =	vst @!p1 v1  }
0xe1: {  	v1 =	vld @!p1 [tilespmem:s26+$0x150];
	_ =	sdelay $0x4  }
0xe2: {  	v2 =	vshrl.u32 @!p1 v1, $0xE;
	v1 =	vand.u32 @!p1 $0x3FFF, v1  }
0xe3: {  	[tilespmem:$0x2850] =	vst @!p1 v2  }
0xe4: {  	s29 =	simm.s32 @!p1 $0x80;
	s30 =	simm.s32 @!p1 $0x2800;
	s31 =	simm.s32 @!p1 $0x2A00;
	[tilespmem:$0x28D0] =	vst @!p1 v1  }
0xe5: {  	v1 =	vld @!p1 [tilespmem:s26+$0x160];
	_ =	sdelay $0x1  }
.Ltmp1:
0xe6: {  	(pc) =	sbr.rel @p0 .LBB2_4-.Ltmp1, $3  }
0xe7: {  	_ =	sdelay $0x1  }
0xe8: {  	v2 =	vshrl.u32 @!p1 v1, $0xE;
	v1 =	vand.u32 @!p1 $0x3FFF, v1  }
0xe9: {  	[tilespmem:$0x2860] =	vst @!p1 v2  }
0xea: {  	[tilespmem:$0x28E0] =	vst @!p1 v1  }
0xeb: {  	v1 =	vld @!p1 [tilespmem:s26+$0x170];
	_ =	sdelay $0x4  }
0xec: {  	v2 =	vshrl.u32 @!p1 v1, $0xE  }
0xed: {  	v1 =	vand.u32 @!p1 $0x3FFF, v1;
	[tilespmem:$0x2870] =	vst @!p1 v2  }
0xee: {  	[tilespmem:$0x28F0] =	vst @!p1 v1  }
0xef: {  	[tilespmem:s31], [sflag:$0x1] =	stream.indirect.gather @!p1 [hbm4b:s1+s29], $0x80, s30, s29, $0xb8;
	[tilespmem:$0x1EA00] =	vst v63  }
0xf0: {  	_ =	swait.ge [sflag:s22], $0x4000  }
0xf1: {  	[sflag:s22] =	ssyncset.done $0x0  }
0xf2: {  	[sflag:s22] =	ssyncadd.s32 $0xFFFFC000  }
0xf3: {  	[spmem:s3] =	stream.indirect.scatter [tilespmem:s13], [sflag:$0x4], $0x80, s23, s15, $0xb8;
	[tilespmem:$0x1EA00] =	vst v63  }
0xf4: {  	_ =	swait.ge [sflag:s21], $0x4000  }
0xf5: {  	s25 =	sshll.u32 s2, $0x6;
	s24 =	sadd.s32 $0x1, s24;
	[sflag:s21] =	ssyncset.done $0x0  }
0xf6: {  	s25 =	sor.u32 $0x1C04, s25;
	p0 =	sne.s32 s24, s12;
	[sflag:s21] =	ssyncadd.s32 $0xFFFFC000  }
.Ltmp2:
0xf7: {  	s31 =	sshrl.u32 s6, $0x3;
	[bflag:$0x0] =	sbarrier.arrive $0xFFFF;
	(pc) =	sbr.rel @p0 .LBB2_1-.Ltmp2, $4  }
0xf8: {  	[hbm:s11], [sflag:s25] =	dma.local [spmem:s31], $0x2800  }
0xf9: {  	_ =	swait.ge [sflag:s21], $0x2800  }
0xfa: {  	[sflag:s21] =	ssyncset.done $0x0  }
0xfb: {  	[sflag:s21] =	ssyncadd.s32 $0xFFFFD800  }
0xfc: {  	_ =	sfence.sel $0x180000  }
0xfd: {  	[bflag:$0x0] =	sbarrier.arrive $0xFFFF  }
0xfe: {  	p0 =	sne.s32 s2, $0x0;
	_ =	strace $0x90000047  }
0xff: {  	s0 =	sadd.s32 @!p0 $0x100000, s0;
	[bflag:$0x2] =	sbarrier.arrive $0xFFFF  }
0x100: {  	[sflag:s0] =	ssyncadd.tile.s32 @!p0 $0x1;
	_ =	shalt  }
.Lfunc_end2:
_tile_overlayer_lowered:
.L_overlay_start_2:
0x101: {  	(tag) =	ssettag $0x2  }
0x102: {  	s0 =	rddreg [dreg:$0x0];
	s2 =	stileid.u32  }
0x103: {  	s1 =	rddreg [dreg:$0x1];
	p0 =	sne.s32 s2, $0x0  }
0x104: {  	s3 =	rddreg [dreg:$0x2];
	[bflag:$0x3] =	sbarrier.arrive $0xFFFF;
	s2 =	simm.s32 @!p0 $0x1C04  }
0x105: {  	[timem:s3], [sflag:s2] =	dma.local @!p0 [hbm:s0], s1  }
0x106: {  	s0 =	simm.s32 @!p0 $0x4  }
0x107: {  	_ =	swait.ge @!p0 [sflag:s0], s1  }
0x108: {  	s1 =	ssub.s32 @!p0 $0x0, s1;
	[sflag:s0] =	ssyncset.done @!p0 $0x0  }
0x109: {  	[sflag:s0] =	ssyncadd.s32 @!p0 s1  }
0x10a: {  	[bflag:$0x3] =	sbarrier.arrive $0xFFFF  }
0x10b: {  	_ =	shalt  }

</sc_bundles>
